<compile_context>
chip_gen: v7x
topology: tpu7x:2x2x1
jax: 0.10.2.dev20260603
libtpu: 0.0.44.dev20260713+nightly
codegen_flags: <defaults>
</compile_context>

<pallas_src>
import functools

import jax
import jax.numpy as jnp
from jax import lax
from jax.experimental import pallas as pl
from jax.experimental.pallas import tpu as pltpu
from jax.experimental.pallas import tpu_sc as plsc

NC = 2
NS = 16
NW = NC * NS
CHUNK = 128


def _sc_mesh():
    return plsc.VectorSubcoreMesh(
        core_axis_name="c", subcore_axis_name="s", num_cores=NC, num_subcores=NS
    )


def _sc_degree(dst3d, zeros16, npad):
    cpw = dst3d.shape[1]
    half = cpw // 2
    rps = npad // NS

    @functools.partial(
        pl.kernel,
        out_type=jax.ShapeDtypeStruct((NC, npad, 16), jnp.float32),
        mesh=_sc_mesh(),
        scratch_types=[
            pltpu.VMEM((half, CHUNK), jnp.int32),
            pltpu.VMEM((CHUNK, 16), jnp.float32),
            pltpu.VMEM_SHARED((npad, 16), jnp.float32),
        ],
    )
    def deg_kernel(dst_hbm, zeros_hbm, out_hbm, idx_v, ones_v, acc_sh):
        c = lax.axis_index("c")
        s = lax.axis_index("s")
        wid = c * NS + s

        def fill(i, carry):
            ones_v[i, :] = jnp.full((16,), 1.0, jnp.float32)
            return carry

        lax.fori_loop(0, CHUNK, fill, 0)
        pltpu.sync_copy(
            zeros_hbm.at[pl.ds(s * rps, rps)], acc_sh.at[pl.ds(s * rps, rps)]
        )
        plsc.subcore_barrier()

        def body(j, carry):
            pltpu.sync_copy(ones_v, acc_sh.at[idx_v.at[j]], add=True)
            return carry

        for phase in range(2):
            pltpu.sync_copy(dst_hbm.at[wid].at[pl.ds(phase * half, half)], idx_v)
            lax.fori_loop(0, half, body, 0)
        plsc.subcore_barrier()
        pltpu.sync_copy(
            acc_sh.at[pl.ds(s * rps, rps)], out_hbm.at[c, pl.ds(s * rps, rps)]
        )

    return deg_kernel(dst3d, zeros16)


def _sc_aggregate(y, src3d, dst3d, zeros_nd, npad):
    d = y.shape[1]
    cpw = src3d.shape[1]
    half = cpw // 2
    rps = npad // NS

    @functools.partial(
        pl.kernel,
        out_type=jax.ShapeDtypeStruct((NC, npad, d), jnp.float32),
        mesh=_sc_mesh(),
        scratch_types=[
            pltpu.VMEM((half, CHUNK), jnp.int32),
            pltpu.VMEM((half, CHUNK), jnp.int32),
            pltpu.VMEM((CHUNK, d), jnp.float32),
            pltpu.VMEM((CHUNK, d), jnp.float32),
            pltpu.VMEM_SHARED((npad, d), jnp.float32),
            pltpu.SemaphoreType.DMA,
            pltpu.SemaphoreType.DMA,
        ],
    )
    def agg_kernel(y_hbm, src_hbm, dst_hbm, zeros_hbm, out_hbm,
                   isrc_v, idst_v, rows0_v, rows1_v, acc_sh, sem0, sem1):
        c = lax.axis_index("c")
        s = lax.axis_index("s")
        wid = c * NS + s
        pltpu.sync_copy(
            zeros_hbm.at[pl.ds(s * rps, rps)], acc_sh.at[pl.ds(s * rps, rps)]
        )
        plsc.subcore_barrier()

        def stage(j, rows_v, sem):
            pltpu.make_async_copy(y_hbm.at[isrc_v.at[j]], rows_v, sem).wait()
            pltpu.sync_copy(rows_v, acc_sh.at[idst_v.at[j]], add=True)

            @pl.when(j + 2 < half)
            def _():
                pltpu.async_copy(y_hbm.at[isrc_v.at[j + 2]], rows_v, sem)

        def body(i, carry):
            stage(2 * i, rows0_v, sem0)
            stage(2 * i + 1, rows1_v, sem1)
            return carry

        for phase in range(2):
            pltpu.sync_copy(src_hbm.at[wid].at[pl.ds(phase * half, half)], isrc_v)
            pltpu.sync_copy(dst_hbm.at[wid].at[pl.ds(phase * half, half)], idst_v)
            pltpu.async_copy(y_hbm.at[isrc_v.at[0]], rows0_v, sem0)
            pltpu.async_copy(y_hbm.at[isrc_v.at[1]], rows1_v, sem1)
            lax.fori_loop(0, half // 2, body, 0)
        plsc.subcore_barrier()
        pltpu.sync_copy(
            acc_sh.at[pl.ds(s * rps, rps)], out_hbm.at[c, pl.ds(s * rps, rps)]
        )

    return agg_kernel(y, src3d, dst3d, zeros_nd)


def _tc_prepare(x, w1, degp):
    n, d = x.shape[0], w1.shape[1]

    def body(x_ref, w_ref, deg_ref, y_ref, dinv_ref):
        deg = deg_ref[0, :n, 0] + deg_ref[1, :n, 0] + 1.0
        dinv = lax.rsqrt(deg)
        dinv_ref[0, :] = dinv
        xw = jnp.dot(x_ref[...], w_ref[...], preferred_element_type=jnp.float32)
        y_ref[...] = xw * dinv[:, None]

    return pl.pallas_call(
        body,
        out_shape=(
            jax.ShapeDtypeStruct((n, d), jnp.float32),
            jax.ShapeDtypeStruct((1, n), jnp.float32),
        ),
    )(x, w1, degp)


def _tc_mid(aggp, y1, dinv, b1, w2):
    n, d = y1.shape

    def body(agg_ref, y1_ref, dinv_ref, b1_ref, w2_ref, y2_ref):
        dinv_col = dinv_ref[0, :][:, None]
        h = (agg_ref[0, :n] + agg_ref[1, :n] + y1_ref[...]) * dinv_col + b1_ref[...]
        h = jnp.maximum(h, 0.0)
        hw = jnp.dot(h, w2_ref[...], preferred_element_type=jnp.float32)
        y2_ref[...] = hw * dinv_col

    return pl.pallas_call(
        body, out_shape=jax.ShapeDtypeStruct((n, d), jnp.float32)
    )(aggp, y1, dinv, b1, w2)


def _tc_final(aggp, y2, dinv, b2, batch_row, n_graphs):
    n, d = y2.shape

    def body(agg_ref, y2_ref, dinv_ref, b2_ref, batch_ref, out_ref):
        dinv_col = dinv_ref[0, :][:, None]
        z = (agg_ref[0, :n] + agg_ref[1, :n] + y2_ref[...]) * dinv_col + b2_ref[...]
        gids = lax.broadcasted_iota(jnp.int32, (n_graphs, n), 0)
        onehot = (gids == batch_ref[0, :][None, :]).astype(jnp.float32)
        sums = jnp.dot(onehot, z, preferred_element_type=jnp.float32)
        cnt = jnp.sum(onehot, axis=1, keepdims=True)
        out_ref[...] = sums / jnp.maximum(cnt, 1.0)

    return pl.pallas_call(
        body, out_shape=jax.ShapeDtypeStruct((n_graphs, d), jnp.float32)
    )(aggp, y2, dinv, b2, batch_row)


def kernel(x, edge_index, batch, W1, b1, W2, b2):
    n, d = x.shape
    e = edge_index.shape[1]
    n_graphs = 32
    npad = ((n + NS * 8 - 1) // (NS * 8)) * NS * 8

    quantum = NW * CHUNK
    epad = ((e + 2 * quantum - 1) // (2 * quantum)) * 2 * quantum
    src_p = jnp.concatenate(
        [edge_index[0], jnp.zeros((epad - e,), edge_index.dtype)])
    pad_dst = n + jnp.arange(epad - e, dtype=edge_index.dtype) % (npad - n)
    dst_p = jnp.concatenate([edge_index[1], pad_dst])
    src3d = src_p.reshape(NW, epad // (NW * CHUNK), CHUNK)
    dst3d = dst_p.reshape(NW, epad // (NW * CHUNK), CHUNK)
    zeros16 = jnp.zeros((npad, 16), jnp.float32)
    zeros_nd = jnp.zeros((npad, d), jnp.float32)
    b1r = b1.reshape(1, d)
    b2r = b2.reshape(1, d)
    batch_row = batch.reshape(1, n).astype(jnp.int32)

    degp = _sc_degree(dst3d, zeros16, npad)
    y1, dinv = _tc_prepare(x, W1, degp)
    agg1 = _sc_aggregate(y1, src3d, dst3d, zeros_nd, npad)
    y2 = _tc_mid(agg1, y1, dinv, b1r, W2)
    agg2 = _sc_aggregate(y2, src3d, dst3d, zeros_nd, npad)
    return _tc_final(agg2, y2, dinv, b2r, batch_row, n_graphs)

# --- scband reference (transcript-rebuilt; emitter-appended) ---
"""Pipeline reference for scband-static-gcn-46445776339763 (READ-ONLY COPY).

The authoritative reference and input builder live on the scoring server;
editing this copy changes nothing except your own understanding.
"""

import jax, jax.numpy as jnp
import numpy as np

N = 10000
E = 320000
D_IN = 128
D_HID = 128
D_OUT = 128
G = 32


def gcn_conv(x, edge_index, W, b):
    # Faithful PyG GCNConv: add self-loops, symmetric normalization D^-1/2 (A+I) D^-1/2 (X W) + b
    n = x.shape[0]
    loop = jnp.arange(n, dtype=edge_index.dtype)
    src = jnp.concatenate([edge_index[0], loop])
    dst = jnp.concatenate([edge_index[1], loop])
    deg = jax.ops.segment_sum(jnp.ones_like(dst, dtype=x.dtype), dst, num_segments=n)
    dinv = jnp.where(deg > 0, 1.0 / jnp.sqrt(deg), 0.0)
    norm = dinv[src] * dinv[dst]
    xw = x @ W
    msgs = xw[src] * norm[:, None]
    out = jax.ops.segment_sum(msgs, dst, num_segments=n)
    return out + b


def setup_inputs(seed: int = 0) -> dict:
    key = jax.random.key(seed)
    ks = jax.random.split(key, 8)
    x = jax.random.normal(ks[0], (N, D_IN), dtype=jnp.float32)
    edge_index = jax.random.randint(ks[1], (2, E), 0, N)
    batch = jnp.sort(jax.random.randint(ks[2], (N,), 0, G))
    # learned parameters sized per init_kwargs (two GCNConv layers)
    W1 = jax.random.normal(ks[3], (D_IN, D_HID), dtype=jnp.float32) * (1.0 / np.sqrt(D_IN))
    b1 = jnp.zeros((D_HID,), dtype=jnp.float32)
    W2 = jax.random.normal(ks[4], (D_HID, D_OUT), dtype=jnp.float32) * (1.0 / np.sqrt(D_HID))
    b2 = jnp.zeros((D_OUT,), dtype=jnp.float32)
    return {"x": x, "edge_index": edge_index, "batch": batch, "W1": W1, "b1": b1, "W2": W2, "b2": b2}


def reference(x, edge_index, batch, W1, b1, W2, b2):
    h = gcn_conv(x, edge_index, W1, b1)
    h = jax.nn.relu(h)
    # F.dropout(training=False) is identity in eval mode; omitted for determinism
    h = gcn_conv(h, edge_index, W2, b2)
    # global_mean_pool over graph ids in `batch`
    sums = jax.ops.segment_sum(h, batch, num_segments=G)
    counts = jax.ops.segment_sum(jnp.ones((h.shape[0], 1), dtype=h.dtype), batch, num_segments=G)
    out = sums / jnp.maximum(counts, 1.0)
    return out

if __name__ == "__main__":
    import jax
    _d = setup_inputs()
    print(jax.jit(kernel)(*tuple(_d.values())))

</pallas_src>

<mosaic_0001>
#map = affine_map<(d0, d1) -> (0, 0, 0)>
#map1 = affine_map<(d0, d1) -> (0, 0)>
module attributes {stable_mosaic.version = 14 : i64} {
  func.func @deg_kernel(%arg0: i32, %arg1: i32, %arg2: memref<32x80x128xi32, #tpu.memory_space<hbm>>, %arg3: memref<10112x16xf32, #tpu.memory_space<hbm>>, %arg4: memref<2x10112x16xf32, #tpu.memory_space<hbm>>, %arg5: memref<40x128xi32, #tpu.memory_space<vmem>>, %arg6: memref<128x16xf32, #tpu.memory_space<vmem>>, %arg7: memref<10112x16xf32, #tpu.memory_space<vmem_shared>>) attributes {dimension_semantics = [#tpu.dimension_semantics<core_parallel>, #tpu.dimension_semantics<subcore_parallel>], iteration_bounds = array<i64: 2, 16>, scalar_prefetch = 0 : i64, scratch_operands = 3 : i64, tpu.core_type = #tpu.core_type<sc_vector_subcore>, window_params = [{transform_indices = #map}, {transform_indices = #map1}, {transform_indices = #map}]} {
    %mul3A = arith.constant 16 : i32
    %mul3A_0 = arith.muli %arg0, %mul3A : i32
    %add3A = arith.addi %mul3A_0, %arg1 : i32
    %scan3A = arith.constant 0 : i32
    %scan3A_1 = arith.constant 0 : i32
    %scan3A_2 = arith.constant 128 : i32
    %scan3A_3 = arith.addi %scan3A_1, %scan3A_2 : i32
    %scan3A_4 = arith.constant 1 : i32
    scf.for %scan3A_27 = %scan3A_1 to %scan3A_3 step %scan3A_4  : i32 {
      %broadcast_in_dim3A = arith.constant 1.000000e+00 : f32
      %broadcast_in_dim3A_28 = vector.broadcast %broadcast_in_dim3A : f32 to vector<16xf32>
      %swap3A = arith.index_cast %scan3A_27 : i32 to index
      %swap3A_29 = arith.constant 0 : index
      %swap3A_30 = tpu.vector_load %arg6[%swap3A, %swap3A_29] {strides = array<i32>} : memref<128x16xf32, #tpu.memory_space<vmem>>, vector<1x16xf32>,
      %swap3A_31 = vector.shape_cast %swap3A_30 : vector<1x16xf32> to vector<16xf32>
      %swap3A_32 = vector.shape_cast %broadcast_in_dim3A_28 : vector<16xf32> to vector<1x16xf32>
      tpu.vector_store %arg6[%swap3A, %swap3A_29], %swap3A_32 {strides = array<i32>} : memref<128x16xf32, #tpu.memory_space<vmem>>, vector<1x16xf32>,
    }
    %scan3A_5 = arith.constant 128 : i32
    %mul3A_6 = arith.constant 632 : i32
    %mul3A_7 = arith.muli %arg1, %mul3A_6 : i32
    %mul3A_8 = arith.constant 632 : i32
    %mul3A_9 = arith.muli %arg1, %mul3A_8 : i32
    "tpu.region"() ({
      %run_scoped3A = tpu.sem_alloc : memref<!tpu.dma_semaphore, #tpu.memory_space<semaphore_mem>>
      %dma_start3A = arith.constant 0 : i32
      %dma_start3A_27 = tpu.memref_slice %arg7[%mul3A_9, %dma_start3A] : memref<10112x16xf32, #tpu.memory_space<vmem_shared>> -> memref<632x16xf32, #tpu.memory_space<vmem_shared>>
      %dma_start3A_28 = arith.constant 0 : i32
      %dma_start3A_29 = tpu.memref_slice %arg3[%mul3A_7, %dma_start3A_28] : memref<10112x16xf32, #tpu.memory_space<hbm>> -> memref<632x16xf32, #tpu.memory_space<hbm>>
      tpu.enqueue_dma source(%dma_start3A_29 : memref<632x16xf32, #tpu.memory_space<hbm>>) target(%dma_start3A_27 : memref<632x16xf32, #tpu.memory_space<vmem_shared>>) target_semaphore(%run_scoped3A : memref<!tpu.dma_semaphore, #tpu.memory_space<semaphore_mem>>)
      %dma_wait3A = arith.constant 0 : i32
      %dma_wait3A_30 = tpu.memref_slice %arg7[%mul3A_9, %dma_wait3A] : memref<10112x16xf32, #tpu.memory_space<vmem_shared>> -> memref<632x16xf32, #tpu.memory_space<vmem_shared>>
      %dma_wait3A_31 = arith.constant 0 : i32
      %dma_wait3A_32 = tpu.memref_slice %arg3[%mul3A_7, %dma_wait3A_31] : memref<10112x16xf32, #tpu.memory_space<hbm>> -> memref<632x16xf32, #tpu.memory_space<hbm>>
      tpu.wait_dma2 semaphore(%run_scoped3A : memref<!tpu.dma_semaphore, #tpu.memory_space<semaphore_mem>>) src(%dma_wait3A_32 : memref<632x16xf32, #tpu.memory_space<hbm>>) dst(%dma_wait3A_30 : memref<632x16xf32, #tpu.memory_space<vmem_shared>>)
      tpu.yield
    }) : () -> ()
    %barrier3A = arith.constant 0 : index
    tpu.barrier barrier_id(%barrier3A)
    "tpu.region"() ({
      %run_scoped3A = tpu.sem_alloc : memref<!tpu.dma_semaphore, #tpu.memory_space<semaphore_mem>>
      %dma_start3A = arith.constant 0 : i32
      %dma_start3A_27 = arith.constant 0 : i32
      %dma_start3A_28 = tpu.memref_slice %arg2[%add3A, %dma_start3A, %dma_start3A_27] : memref<32x80x128xi32, #tpu.memory_space<hbm>> -> memref<1x80x128xi32, #tpu.memory_space<hbm>>
      %dma_start3A_29 = tpu.memref_squeeze %dma_start3A_28 : memref<1x80x128xi32, #tpu.memory_space<hbm>> -> memref<80x128xi32, #tpu.memory_space<hbm>>
      %dma_start3A_30 = arith.constant 0 : i32
      %dma_start3A_31 = arith.constant 0 : i32
      %dma_start3A_32 = tpu.memref_slice %dma_start3A_29[%dma_start3A_30, %dma_start3A_31] : memref<80x128xi32, #tpu.memory_space<hbm>> -> memref<40x128xi32, #tpu.memory_space<hbm>>
      %dma_start3A_33 = arith.constant 0 : i32
      %dma_start3A_34 = arith.constant 0 : i32
      %dma_start3A_35 = tpu.memref_slice %arg2[%add3A, %dma_start3A_33, %dma_start3A_34] : memref<32x80x128xi32, #tpu.memory_space<hbm>> -> memref<1x80x128xi32, #tpu.memory_space<hbm>>
      %dma_start3A_36 = tpu.memref_squeeze %dma_start3A_35 : memref<1x80x128xi32, #tpu.memory_space<hbm>> -> memref<80x128xi32, #tpu.memory_space<hbm>>
      %dma_start3A_37 = arith.constant 0 : i32
      %dma_start3A_38 = arith.constant 0 : i32
      %dma_start3A_39 = tpu.memref_slice %dma_start3A_36[%dma_start3A_37, %dma_start3A_38] : memref<80x128xi32, #tpu.memory_space<hbm>> -> memref<40x128xi32, #tpu.memory_space<hbm>>
      tpu.enqueue_dma source(%dma_start3A_39 : memref<40x128xi32, #tpu.memory_space<hbm>>) target(%arg5 : memref<40x128xi32, #tpu.memory_space<vmem>>) target_semaphore(%run_scoped3A : memref<!tpu.dma_semaphore, #tpu.memory_space<semaphore_mem>>)
      %dma_wait3A = arith.constant 0 : i32
      %dma_wait3A_40 = arith.constant 0 : i32
      %dma_wait3A_41 = tpu.memref_slice %arg2[%add3A, %dma_wait3A, %dma_wait3A_40] : memref<32x80x128xi32, #tpu.memory_space<hbm>> -> memref<1x80x128xi32, #tpu.memory_space<hbm>>
      %dma_wait3A_42 = tpu.memref_squeeze %dma_wait3A_41 : memref<1x80x128xi32, #tpu.memory_space<hbm>> -> memref<80x128xi32, #tpu.memory_space<hbm>>
      %dma_wait3A_43 = arith.constant 0 : i32
      %dma_wait3A_44 = arith.constant 0 : i32
      %dma_wait3A_45 = tpu.memref_slice %dma_wait3A_42[%dma_wait3A_43, %dma_wait3A_44] : memref<80x128xi32, #tpu.memory_space<hbm>> -> memref<40x128xi32, #tpu.memory_space<hbm>>
      %dma_wait3A_46 = arith.constant 0 : i32
      %dma_wait3A_47 = arith.constant 0 : i32
      %dma_wait3A_48 = tpu.memref_slice %arg2[%add3A, %dma_wait3A_46, %dma_wait3A_47] : memref<32x80x128xi32, #tpu.memory_space<hbm>> -> memref<1x80x128xi32, #tpu.memory_space<hbm>>
      %dma_wait3A_49 = tpu.memref_squeeze %dma_wait3A_48 : memref<1x80x128xi32, #tpu.memory_space<hbm>> -> memref<80x128xi32, #tpu.memory_space<hbm>>
      %dma_wait3A_50 = arith.constant 0 : i32
      %dma_wait3A_51 = arith.constant 0 : i32
      %dma_wait3A_52 = tpu.memref_slice %dma_wait3A_49[%dma_wait3A_50, %dma_wait3A_51] : memref<80x128xi32, #tpu.memory_space<hbm>> -> memref<40x128xi32, #tpu.memory_space<hbm>>
      tpu.wait_dma2 semaphore(%run_scoped3A : memref<!tpu.dma_semaphore, #tpu.memory_space<semaphore_mem>>) src(%dma_wait3A_52 : memref<40x128xi32, #tpu.memory_space<hbm>>) dst(%arg5 : memref<40x128xi32, #tpu.memory_space<vmem>>)
      tpu.yield
    }) : () -> ()
    %scan3A_10 = arith.constant 0 : i32
    %scan3A_11 = arith.constant 0 : i32
    %scan3A_12 = arith.constant 40 : i32
    %scan3A_13 = arith.addi %scan3A_11, %scan3A_12 : i32
    %scan3A_14 = arith.constant 1 : i32
    scf.for %scan3A_27 = %scan3A_11 to %scan3A_13 step %scan3A_14  : i32 {
      "tpu.region"() ({
        %run_scoped3A = tpu.sem_alloc : memref<!tpu.dma_semaphore, #tpu.memory_space<semaphore_mem>>
        %dma_start3A = arith.constant 0 : i32
        %dma_start3A_28 = tpu.memref_slice %arg5[%scan3A_27, %dma_start3A] : memref<40x128xi32, #tpu.memory_space<vmem>> -> memref<1x128xi32, #tpu.memory_space<vmem>>
        %dma_start3A_29 = tpu.memref_squeeze %dma_start3A_28 : memref<1x128xi32, #tpu.memory_space<vmem>> -> memref<128xi32, #tpu.memory_space<vmem>>
        %dma_start3A_30 = arith.constant 0 : i32
        %dma_start3A_31 = arith.constant 0 : i32
        %dma_start3A_32 = tpu.memref_slice %arg7[%dma_start3A_30, %dma_start3A_31] : memref<10112x16xf32, #tpu.memory_space<vmem_shared>> -> memref<10112x16xf32, #tpu.memory_space<vmem_shared>>
        tpu.enqueue_indirect_dma source(%arg6 : memref<128x16xf32, #tpu.memory_space<vmem>>) target(%dma_start3A_32 : memref<10112x16xf32, #tpu.memory_space<vmem_shared>>) offsets(%dma_start3A_29 : memref<128xi32, #tpu.memory_space<vmem>>) semaphore(%run_scoped3A : memref<!tpu.dma_semaphore, #tpu.memory_space<semaphore_mem>>) {add = true}
        %dma_wait3A = arith.constant 0 : i32
        %dma_wait3A_33 = tpu.memref_slice %arg5[%scan3A_27, %dma_wait3A] : memref<40x128xi32, #tpu.memory_space<vmem>> -> memref<1x128xi32, #tpu.memory_space<vmem>>
        %dma_wait3A_34 = tpu.memref_squeeze %dma_wait3A_33 : memref<1x128xi32, #tpu.memory_space<vmem>> -> memref<128xi32, #tpu.memory_space<vmem>>
        %dma_wait3A_35 = arith.constant 0 : i32
        %dma_wait3A_36 = arith.constant 0 : i32
        %dma_wait3A_37 = tpu.memref_slice %arg7[%dma_wait3A_35, %dma_wait3A_36] : memref<10112x16xf32, #tpu.memory_space<vmem_shared>> -> memref<10112x16xf32, #tpu.memory_space<vmem_shared>>
        tpu.wait_indirect_dma semaphore(%run_scoped3A : memref<!tpu.dma_semaphore, #tpu.memory_space<semaphore_mem>>) src(%arg6 : memref<128x16xf32, #tpu.memory_space<vmem>>) dst(%dma_wait3A_37 : memref<10112x16xf32, #tpu.memory_space<vmem_shared>>)
        tpu.yield
      }) : () -> ()
    }
    %scan3A_15 = arith.constant 40 : i32
    "tpu.region"() ({
      %run_scoped3A = tpu.sem_alloc : memref<!tpu.dma_semaphore, #tpu.memory_space<semaphore_mem>>
      %dma_start3A = arith.constant 0 : i32
      %dma_start3A_27 = arith.constant 0 : i32
      %dma_start3A_28 = tpu.memref_slice %arg2[%add3A, %dma_start3A, %dma_start3A_27] : memref<32x80x128xi32, #tpu.memory_space<hbm>> -> memref<1x80x128xi32, #tpu.memory_space<hbm>>
      %dma_start3A_29 = tpu.memref_squeeze %dma_start3A_28 : memref<1x80x128xi32, #tpu.memory_space<hbm>> -> memref<80x128xi32, #tpu.memory_space<hbm>>
      %dma_start3A_30 = arith.constant 40 : i32
      %dma_start3A_31 = arith.constant 0 : i32
      %dma_start3A_32 = tpu.memref_slice %dma_start3A_29[%dma_start3A_30, %dma_start3A_31] : memref<80x128xi32, #tpu.memory_space<hbm>> -> memref<40x128xi32, #tpu.memory_space<hbm>>
      %dma_start3A_33 = arith.constant 0 : i32
      %dma_start3A_34 = arith.constant 0 : i32
      %dma_start3A_35 = tpu.memref_slice %arg2[%add3A, %dma_start3A_33, %dma_start3A_34] : memref<32x80x128xi32, #tpu.memory_space<hbm>> -> memref<1x80x128xi32, #tpu.memory_space<hbm>>
      %dma_start3A_36 = tpu.memref_squeeze %dma_start3A_35 : memref<1x80x128xi32, #tpu.memory_space<hbm>> -> memref<80x128xi32, #tpu.memory_space<hbm>>
      %dma_start3A_37 = arith.constant 40 : i32
      %dma_start3A_38 = arith.constant 0 : i32
      %dma_start3A_39 = tpu.memref_slice %dma_start3A_36[%dma_start3A_37, %dma_start3A_38] : memref<80x128xi32, #tpu.memory_space<hbm>> -> memref<40x128xi32, #tpu.memory_space<hbm>>
      tpu.enqueue_dma source(%dma_start3A_39 : memref<40x128xi32, #tpu.memory_space<hbm>>) target(%arg5 : memref<40x128xi32, #tpu.memory_space<vmem>>) target_semaphore(%run_scoped3A : memref<!tpu.dma_semaphore, #tpu.memory_space<semaphore_mem>>)
      %dma_wait3A = arith.constant 0 : i32
      %dma_wait3A_40 = arith.constant 0 : i32
      %dma_wait3A_41 = tpu.memref_slice %arg2[%add3A, %dma_wait3A, %dma_wait3A_40] : memref<32x80x128xi32, #tpu.memory_space<hbm>> -> memref<1x80x128xi32, #tpu.memory_space<hbm>>
      %dma_wait3A_42 = tpu.memref_squeeze %dma_wait3A_41 : memref<1x80x128xi32, #tpu.memory_space<hbm>> -> memref<80x128xi32, #tpu.memory_space<hbm>>
      %dma_wait3A_43 = arith.constant 40 : i32
      %dma_wait3A_44 = arith.constant 0 : i32
      %dma_wait3A_45 = tpu.memref_slice %dma_wait3A_42[%dma_wait3A_43, %dma_wait3A_44] : memref<80x128xi32, #tpu.memory_space<hbm>> -> memref<40x128xi32, #tpu.memory_space<hbm>>
      %dma_wait3A_46 = arith.constant 0 : i32
      %dma_wait3A_47 = arith.constant 0 : i32
      %dma_wait3A_48 = tpu.memref_slice %arg2[%add3A, %dma_wait3A_46, %dma_wait3A_47] : memref<32x80x128xi32, #tpu.memory_space<hbm>> -> memref<1x80x128xi32, #tpu.memory_space<hbm>>
      %dma_wait3A_49 = tpu.memref_squeeze %dma_wait3A_48 : memref<1x80x128xi32, #tpu.memory_space<hbm>> -> memref<80x128xi32, #tpu.memory_space<hbm>>
      %dma_wait3A_50 = arith.constant 40 : i32
      %dma_wait3A_51 = arith.constant 0 : i32
      %dma_wait3A_52 = tpu.memref_slice %dma_wait3A_49[%dma_wait3A_50, %dma_wait3A_51] : memref<80x128xi32, #tpu.memory_space<hbm>> -> memref<40x128xi32, #tpu.memory_space<hbm>>
      tpu.wait_dma2 semaphore(%run_scoped3A : memref<!tpu.dma_semaphore, #tpu.memory_space<semaphore_mem>>) src(%dma_wait3A_52 : memref<40x128xi32, #tpu.memory_space<hbm>>) dst(%arg5 : memref<40x128xi32, #tpu.memory_space<vmem>>)
      tpu.yield
    }) : () -> ()
    %scan3A_16 = arith.constant 0 : i32
    %scan3A_17 = arith.constant 0 : i32
    %scan3A_18 = arith.constant 40 : i32
    %scan3A_19 = arith.addi %scan3A_17, %scan3A_18 : i32
    %scan3A_20 = arith.constant 1 : i32
    scf.for %scan3A_27 = %scan3A_17 to %scan3A_19 step %scan3A_20  : i32 {
      "tpu.region"() ({
        %run_scoped3A = tpu.sem_alloc : memref<!tpu.dma_semaphore, #tpu.memory_space<semaphore_mem>>
        %dma_start3A = arith.constant 0 : i32
        %dma_start3A_28 = tpu.memref_slice %arg5[%scan3A_27, %dma_start3A] : memref<40x128xi32, #tpu.memory_space<vmem>> -> memref<1x128xi32, #tpu.memory_space<vmem>>
        %dma_start3A_29 = tpu.memref_squeeze %dma_start3A_28 : memref<1x128xi32, #tpu.memory_space<vmem>> -> memref<128xi32, #tpu.memory_space<vmem>>
        %dma_start3A_30 = arith.constant 0 : i32
        %dma_start3A_31 = arith.constant 0 : i32
        %dma_start3A_32 = tpu.memref_slice %arg7[%dma_start3A_30, %dma_start3A_31] : memref<10112x16xf32, #tpu.memory_space<vmem_shared>> -> memref<10112x16xf32, #tpu.memory_space<vmem_shared>>
        tpu.enqueue_indirect_dma source(%arg6 : memref<128x16xf32, #tpu.memory_space<vmem>>) target(%dma_start3A_32 : memref<10112x16xf32, #tpu.memory_space<vmem_shared>>) offsets(%dma_start3A_29 : memref<128xi32, #tpu.memory_space<vmem>>) semaphore(%run_scoped3A : memref<!tpu.dma_semaphore, #tpu.memory_space<semaphore_mem>>) {add = true}
        %dma_wait3A = arith.constant 0 : i32
        %dma_wait3A_33 = tpu.memref_slice %arg5[%scan3A_27, %dma_wait3A] : memref<40x128xi32, #tpu.memory_space<vmem>> -> memref<1x128xi32, #tpu.memory_space<vmem>>
        %dma_wait3A_34 = tpu.memref_squeeze %dma_wait3A_33 : memref<1x128xi32, #tpu.memory_space<vmem>> -> memref<128xi32, #tpu.memory_space<vmem>>
        %dma_wait3A_35 = arith.constant 0 : i32
        %dma_wait3A_36 = arith.constant 0 : i32
        %dma_wait3A_37 = tpu.memref_slice %arg7[%dma_wait3A_35, %dma_wait3A_36] : memref<10112x16xf32, #tpu.memory_space<vmem_shared>> -> memref<10112x16xf32, #tpu.memory_space<vmem_shared>>
        tpu.wait_indirect_dma semaphore(%run_scoped3A : memref<!tpu.dma_semaphore, #tpu.memory_space<semaphore_mem>>) src(%arg6 : memref<128x16xf32, #tpu.memory_space<vmem>>) dst(%dma_wait3A_37 : memref<10112x16xf32, #tpu.memory_space<vmem_shared>>)
        tpu.yield
      }) : () -> ()
    }
    %scan3A_21 = arith.constant 40 : i32
    %barrier3A_22 = arith.constant 0 : index
    tpu.barrier barrier_id(%barrier3A_22)
    %mul3A_23 = arith.constant 632 : i32
    %mul3A_24 = arith.muli %arg1, %mul3A_23 : i32
    %mul3A_25 = arith.constant 632 : i32
    %mul3A_26 = arith.muli %arg1, %mul3A_25 : i32
    "tpu.region"() ({
      %run_scoped3A = tpu.sem_alloc : memref<!tpu.dma_semaphore, #tpu.memory_space<semaphore_mem>>
      %dma_start3A = arith.constant 0 : i32
      %dma_start3A_27 = tpu.memref_slice %arg4[%arg0, %mul3A_26, %dma_start3A] : memref<2x10112x16xf32, #tpu.memory_space<hbm>> -> memref<1x632x16xf32, #tpu.memory_space<hbm>>
      %dma_start3A_28 = tpu.memref_squeeze %dma_start3A_27 : memref<1x632x16xf32, #tpu.memory_space<hbm>> -> memref<632x16xf32, #tpu.memory_space<hbm>>
      %dma_start3A_29 = arith.constant 0 : i32
      %dma_start3A_30 = tpu.memref_slice %arg7[%mul3A_24, %dma_start3A_29] : memref<10112x16xf32, #tpu.memory_space<vmem_shared>> -> memref<632x16xf32, #tpu.memory_space<vmem_shared>>
      tpu.enqueue_dma source(%dma_start3A_30 : memref<632x16xf32, #tpu.memory_space<vmem_shared>>) target(%dma_start3A_28 : memref<632x16xf32, #tpu.memory_space<hbm>>) target_semaphore(%run_scoped3A : memref<!tpu.dma_semaphore, #tpu.memory_space<semaphore_mem>>)
      %dma_wait3A = arith.constant 0 : i32
      %dma_wait3A_31 = tpu.memref_slice %arg4[%arg0, %mul3A_26, %dma_wait3A] : memref<2x10112x16xf32, #tpu.memory_space<hbm>> -> memref<1x632x16xf32, #tpu.memory_space<hbm>>
      %dma_wait3A_32 = tpu.memref_squeeze %dma_wait3A_31 : memref<1x632x16xf32, #tpu.memory_space<hbm>> -> memref<632x16xf32, #tpu.memory_space<hbm>>
      %dma_wait3A_33 = arith.constant 0 : i32
      %dma_wait3A_34 = tpu.memref_slice %arg7[%mul3A_24, %dma_wait3A_33] : memref<10112x16xf32, #tpu.memory_space<vmem_shared>> -> memref<632x16xf32, #tpu.memory_space<vmem_shared>>
      tpu.wait_dma2 semaphore(%run_scoped3A : memref<!tpu.dma_semaphore, #tpu.memory_space<semaphore_mem>>) src(%dma_wait3A_34 : memref<632x16xf32, #tpu.memory_space<vmem_shared>>) dst(%dma_wait3A_32 : memref<632x16xf32, #tpu.memory_space<hbm>>)
      tpu.yield
    }) : () -> ()
    return
  }
}

#map = affine_map<(d0, d1) -> (0, 0)>
#map1 = affine_map<(d0, d1) -> (0, 0, 0)>
module attributes {stable_mosaic.version = 14 : i64} {
  func.func @agg_kernel(%arg0: i32, %arg1: i32, %arg2: memref<10000x128xf32, #tpu.memory_space<hbm>>, %arg3: memref<32x80x128xi32, #tpu.memory_space<hbm>>, %arg4: memref<32x80x128xi32, #tpu.memory_space<hbm>>, %arg5: memref<10112x128xf32, #tpu.memory_space<hbm>>, %arg6: memref<2x10112x128xf32, #tpu.memory_space<hbm>>, %arg7: memref<40x128xi32, #tpu.memory_space<vmem>>, %arg8: memref<40x128xi32, #tpu.memory_space<vmem>>, %arg9: memref<128x128xf32, #tpu.memory_space<vmem>>, %arg10: memref<128x128xf32, #tpu.memory_space<vmem>>, %arg11: memref<10112x128xf32, #tpu.memory_space<vmem_shared>>, %arg12: memref<!tpu.dma_semaphore, #tpu.memory_space<semaphore_mem>>, %arg13: memref<!tpu.dma_semaphore, #tpu.memory_space<semaphore_mem>>) attributes {dimension_semantics = [#tpu.dimension_semantics<core_parallel>, #tpu.dimension_semantics<subcore_parallel>], iteration_bounds = array<i64: 2, 16>, scalar_prefetch = 0 : i64, scratch_operands = 7 : i64, tpu.core_type = #tpu.core_type<sc_vector_subcore>, window_params = [{transform_indices = #map}, {transform_indices = #map1}, {transform_indices = #map1}, {transform_indices = #map}, {transform_indices = #map1}]} {
    %mul3A = arith.constant 16 : i32
    %mul3A_0 = arith.muli %arg0, %mul3A : i32
    %add3A = arith.addi %mul3A_0, %arg1 : i32
    %mul3A_1 = arith.constant 632 : i32
    %mul3A_2 = arith.muli %arg1, %mul3A_1 : i32
    %mul3A_3 = arith.constant 632 : i32
    %mul3A_4 = arith.muli %arg1, %mul3A_3 : i32
    "tpu.region"() ({
      %run_scoped3A = tpu.sem_alloc : memref<!tpu.dma_semaphore, #tpu.memory_space<semaphore_mem>>
      %dma_start3A_48 = arith.constant 0 : i32
      %dma_start3A_49 = tpu.memref_slice %arg11[%mul3A_4, %dma_start3A_48] : memref<10112x128xf32, #tpu.memory_space<vmem_shared>> -> memref<632x128xf32, #tpu.memory_space<vmem_shared>>
      %dma_start3A_50 = arith.constant 0 : i32
      %dma_start3A_51 = tpu.memref_slice %arg5[%mul3A_2, %dma_start3A_50] : memref<10112x128xf32, #tpu.memory_space<hbm>> -> memref<632x128xf32, #tpu.memory_space<hbm>>
      tpu.enqueue_dma source(%dma_start3A_51 : memref<632x128xf32, #tpu.memory_space<hbm>>) target(%dma_start3A_49 : memref<632x128xf32, #tpu.memory_space<vmem_shared>>) target_semaphore(%run_scoped3A : memref<!tpu.dma_semaphore, #tpu.memory_space<semaphore_mem>>)
      %dma_wait3A = arith.constant 0 : i32
      %dma_wait3A_52 = tpu.memref_slice %arg11[%mul3A_4, %dma_wait3A] : memref<10112x128xf32, #tpu.memory_space<vmem_shared>> -> memref<632x128xf32, #tpu.memory_space<vmem_shared>>
      %dma_wait3A_53 = arith.constant 0 : i32
      %dma_wait3A_54 = tpu.memref_slice %arg5[%mul3A_2, %dma_wait3A_53] : memref<10112x128xf32, #tpu.memory_space<hbm>> -> memref<632x128xf32, #tpu.memory_space<hbm>>
      tpu.wait_dma2 semaphore(%run_scoped3A : memref<!tpu.dma_semaphore, #tpu.memory_space<semaphore_mem>>) src(%dma_wait3A_54 : memref<632x128xf32, #tpu.memory_space<hbm>>) dst(%dma_wait3A_52 : memref<632x128xf32, #tpu.memory_space<vmem_shared>>)
      tpu.yield
    }) : () -> ()
    %barrier3A = arith.constant 0 : index
    tpu.barrier barrier_id(%barrier3A)
    "tpu.region"() ({
      %run_scoped3A = tpu.sem_alloc : memref<!tpu.dma_semaphore, #tpu.memory_space<semaphore_mem>>
      %dma_start3A_48 = arith.constant 0 : i32
      %dma_start3A_49 = arith.constant 0 : i32
      %dma_start3A_50 = tpu.memref_slice %arg3[%add3A, %dma_start3A_48, %dma_start3A_49] : memref<32x80x128xi32, #tpu.memory_space<hbm>> -> memref<1x80x128xi32, #tpu.memory_space<hbm>>
      %dma_start3A_51 = tpu.memref_squeeze %dma_start3A_50 : memref<1x80x128xi32, #tpu.memory_space<hbm>> -> memref<80x128xi32, #tpu.memory_space<hbm>>
      %dma_start3A_52 = arith.constant 0 : i32
      %dma_start3A_53 = arith.constant 0 : i32
      %dma_start3A_54 = tpu.memref_slice %dma_start3A_51[%dma_start3A_52, %dma_start3A_53] : memref<80x128xi32, #tpu.memory_space<hbm>> -> memref<40x128xi32, #tpu.memory_space<hbm>>
      %dma_start3A_55 = arith.constant 0 : i32
      %dma_start3A_56 = arith.constant 0 : i32
      %dma_start3A_57 = tpu.memref_slice %arg3[%add3A, %dma_start3A_55, %dma_start3A_56] : memref<32x80x128xi32, #tpu.memory_space<hbm>> -> memref<1x80x128xi32, #tpu.memory_space<hbm>>
      %dma_start3A_58 = tpu.memref_squeeze %dma_start3A_57 : memref<1x80x128xi32, #tpu.memory_space<hbm>> -> memref<80x128xi32, #tpu.memory_space<hbm>>
      %dma_start3A_59 = arith.constant 0 : i32
      %dma_start3A_60 = arith.constant 0 : i32
      %dma_start3A_61 = tpu.memref_slice %dma_start3A_58[%dma_start3A_59, %dma_start3A_60] : memref<80x128xi32, #tpu.memory_space<hbm>> -> memref<40x128xi32, #tpu.memory_space<hbm>>
      tpu.enqueue_dma source(%dma_start3A_61 : memref<40x128xi32, #tpu.memory_space<hbm>>) target(%arg7 : memref<40x128xi32, #tpu.memory_space<vmem>>) target_semaphore(%run_scoped3A : memref<!tpu.dma_semaphore, #tpu.memory_space<semaphore_mem>>)
      %dma_wait3A = arith.constant 0 : i32
      %dma_wait3A_62 = arith.constant 0 : i32
      %dma_wait3A_63 = tpu.memref_slice %arg3[%add3A, %dma_wait3A, %dma_wait3A_62] : memref<32x80x128xi32, #tpu.memory_space<hbm>> -> memref<1x80x128xi32, #tpu.memory_space<hbm>>
      %dma_wait3A_64 = tpu.memref_squeeze %dma_wait3A_63 : memref<1x80x128xi32, #tpu.memory_space<hbm>> -> memref<80x128xi32, #tpu.memory_space<hbm>>
      %dma_wait3A_65 = arith.constant 0 : i32
      %dma_wait3A_66 = arith.constant 0 : i32
      %dma_wait3A_67 = tpu.memref_slice %dma_wait3A_64[%dma_wait3A_65, %dma_wait3A_66] : memref<80x128xi32, #tpu.memory_space<hbm>> -> memref<40x128xi32, #tpu.memory_space<hbm>>
      %dma_wait3A_68 = arith.constant 0 : i32
      %dma_wait3A_69 = arith.constant 0 : i32
      %dma_wait3A_70 = tpu.memref_slice %arg3[%add3A, %dma_wait3A_68, %dma_wait3A_69] : memref<32x80x128xi32, #tpu.memory_space<hbm>> -> memref<1x80x128xi32, #tpu.memory_space<hbm>>
      %dma_wait3A_71 = tpu.memref_squeeze %dma_wait3A_70 : memref<1x80x128xi32, #tpu.memory_space<hbm>> -> memref<80x128xi32, #tpu.memory_space<hbm>>
      %dma_wait3A_72 = arith.constant 0 : i32
      %dma_wait3A_73 = arith.constant 0 : i32
      %dma_wait3A_74 = tpu.memref_slice %dma_wait3A_71[%dma_wait3A_72, %dma_wait3A_73] : memref<80x128xi32, #tpu.memory_space<hbm>> -> memref<40x128xi32, #tpu.memory_space<hbm>>
      tpu.wait_dma2 semaphore(%run_scoped3A : memref<!tpu.dma_semaphore, #tpu.memory_space<semaphore_mem>>) src(%dma_wait3A_74 : memref<40x128xi32, #tpu.memory_space<hbm>>) dst(%arg7 : memref<40x128xi32, #tpu.memory_space<vmem>>)
      tpu.yield
    }) : () -> ()
    "tpu.region"() ({
      %run_scoped3A = tpu.sem_alloc : memref<!tpu.dma_semaphore, #tpu.memory_space<semaphore_mem>>
      %dma_start3A_48 = arith.constant 0 : i32
      %dma_start3A_49 = arith.constant 0 : i32
      %dma_start3A_50 = tpu.memref_slice %arg4[%add3A, %dma_start3A_48, %dma_start3A_49] : memref<32x80x128xi32, #tpu.memory_space<hbm>> -> memref<1x80x128xi32, #tpu.memory_space<hbm>>
      %dma_start3A_51 = tpu.memref_squeeze %dma_start3A_50 : memref<1x80x128xi32, #tpu.memory_space<hbm>> -> memref<80x128xi32, #tpu.memory_space<hbm>>
      %dma_start3A_52 = arith.constant 0 : i32
      %dma_start3A_53 = arith.constant 0 : i32
      %dma_start3A_54 = tpu.memref_slice %dma_start3A_51[%dma_start3A_52, %dma_start3A_53] : memref<80x128xi32, #tpu.memory_space<hbm>> -> memref<40x128xi32, #tpu.memory_space<hbm>>
      %dma_start3A_55 = arith.constant 0 : i32
      %dma_start3A_56 = arith.constant 0 : i32
      %dma_start3A_57 = tpu.memref_slice %arg4[%add3A, %dma_start3A_55, %dma_start3A_56] : memref<32x80x128xi32, #tpu.memory_space<hbm>> -> memref<1x80x128xi32, #tpu.memory_space<hbm>>
      %dma_start3A_58 = tpu.memref_squeeze %dma_start3A_57 : memref<1x80x128xi32, #tpu.memory_space<hbm>> -> memref<80x128xi32, #tpu.memory_space<hbm>>
      %dma_start3A_59 = arith.constant 0 : i32
      %dma_start3A_60 = arith.constant 0 : i32
      %dma_start3A_61 = tpu.memref_slice %dma_start3A_58[%dma_start3A_59, %dma_start3A_60] : memref<80x128xi32, #tpu.memory_space<hbm>> -> memref<40x128xi32, #tpu.memory_space<hbm>>
      tpu.enqueue_dma source(%dma_start3A_61 : memref<40x128xi32, #tpu.memory_space<hbm>>) target(%arg8 : memref<40x128xi32, #tpu.memory_space<vmem>>) target_semaphore(%run_scoped3A : memref<!tpu.dma_semaphore, #tpu.memory_space<semaphore_mem>>)
      %dma_wait3A = arith.constant 0 : i32
      %dma_wait3A_62 = arith.constant 0 : i32
      %dma_wait3A_63 = tpu.memref_slice %arg4[%add3A, %dma_wait3A, %dma_wait3A_62] : memref<32x80x128xi32, #tpu.memory_space<hbm>> -> memref<1x80x128xi32, #tpu.memory_space<hbm>>
      %dma_wait3A_64 = tpu.memref_squeeze %dma_wait3A_63 : memref<1x80x128xi32, #tpu.memory_space<hbm>> -> memref<80x128xi32, #tpu.memory_space<hbm>>
      %dma_wait3A_65 = arith.constant 0 : i32
      %dma_wait3A_66 = arith.constant 0 : i32
      %dma_wait3A_67 = tpu.memref_slice %dma_wait3A_64[%dma_wait3A_65, %dma_wait3A_66] : memref<80x128xi32, #tpu.memory_space<hbm>> -> memref<40x128xi32, #tpu.memory_space<hbm>>
      %dma_wait3A_68 = arith.constant 0 : i32
      %dma_wait3A_69 = arith.constant 0 : i32
      %dma_wait3A_70 = tpu.memref_slice %arg4[%add3A, %dma_wait3A_68, %dma_wait3A_69] : memref<32x80x128xi32, #tpu.memory_space<hbm>> -> memref<1x80x128xi32, #tpu.memory_space<hbm>>
      %dma_wait3A_71 = tpu.memref_squeeze %dma_wait3A_70 : memref<1x80x128xi32, #tpu.memory_space<hbm>> -> memref<80x128xi32, #tpu.memory_space<hbm>>
      %dma_wait3A_72 = arith.constant 0 : i32
      %dma_wait3A_73 = arith.constant 0 : i32
      %dma_wait3A_74 = tpu.memref_slice %dma_wait3A_71[%dma_wait3A_72, %dma_wait3A_73] : memref<80x128xi32, #tpu.memory_space<hbm>> -> memref<40x128xi32, #tpu.memory_space<hbm>>
      tpu.wait_dma2 semaphore(%run_scoped3A : memref<!tpu.dma_semaphore, #tpu.memory_space<semaphore_mem>>) src(%dma_wait3A_74 : memref<40x128xi32, #tpu.memory_space<hbm>>) dst(%arg8 : memref<40x128xi32, #tpu.memory_space<vmem>>)
      tpu.yield
    }) : () -> ()
    %dma_start3A = arith.constant 0 : i32
    %dma_start3A_5 = arith.constant 0 : i32
    %dma_start3A_6 = tpu.memref_slice %arg7[%dma_start3A, %dma_start3A_5] : memref<40x128xi32, #tpu.memory_space<vmem>> -> memref<1x128xi32, #tpu.memory_space<vmem>>
    %dma_start3A_7 = tpu.memref_squeeze %dma_start3A_6 : memref<1x128xi32, #tpu.memory_space<vmem>> -> memref<128xi32, #tpu.memory_space<vmem>>
    %dma_start3A_8 = arith.constant 0 : i32
    %dma_start3A_9 = arith.constant 0 : i32
    %dma_start3A_10 = tpu.memref_slice %arg2[%dma_start3A_8, %dma_start3A_9] : memref<10000x128xf32, #tpu.memory_space<hbm>> -> memref<10000x128xf32, #tpu.memory_space<hbm>>
    tpu.enqueue_indirect_dma source(%dma_start3A_10 : memref<10000x128xf32, #tpu.memory_space<hbm>>) target(%arg9 : memref<128x128xf32, #tpu.memory_space<vmem>>) offsets(%dma_start3A_7 : memref<128xi32, #tpu.memory_space<vmem>>) semaphore(%arg12 : memref<!tpu.dma_semaphore, #tpu.memory_space<semaphore_mem>>)
    %dma_start3A_11 = arith.constant 1 : i32
    %dma_start3A_12 = arith.constant 0 : i32
    %dma_start3A_13 = tpu.memref_slice %arg7[%dma_start3A_11, %dma_start3A_12] : memref<40x128xi32, #tpu.memory_space<vmem>> -> memref<1x128xi32, #tpu.memory_space<vmem>>
    %dma_start3A_14 = tpu.memref_squeeze %dma_start3A_13 : memref<1x128xi32, #tpu.memory_space<vmem>> -> memref<128xi32, #tpu.memory_space<vmem>>
    %dma_start3A_15 = arith.constant 0 : i32
    %dma_start3A_16 = arith.constant 0 : i32
    %dma_start3A_17 = tpu.memref_slice %arg2[%dma_start3A_15, %dma_start3A_16] : memref<10000x128xf32, #tpu.memory_space<hbm>> -> memref<10000x128xf32, #tpu.memory_space<hbm>>
    tpu.enqueue_indirect_dma source(%dma_start3A_17 : memref<10000x128xf32, #tpu.memory_space<hbm>>) target(%arg10 : memref<128x128xf32, #tpu.memory_space<vmem>>) offsets(%dma_start3A_14 : memref<128xi32, #tpu.memory_space<vmem>>) semaphore(%arg13 : memref<!tpu.dma_semaphore, #tpu.memory_space<semaphore_mem>>)
    %scan3A = arith.constant 0 : i32
    %scan3A_18 = arith.constant 0 : i32
    %scan3A_19 = arith.constant 20 : i32
    %scan3A_20 = arith.addi %scan3A_18, %scan3A_19 : i32
    %scan3A_21 = arith.constant 1 : i32
    scf.for %scan3A_48 = %scan3A_18 to %scan3A_20 step %scan3A_21  : i32 {
      %mul3A_49 = arith.constant 2 : i32
      %mul3A_50 = arith.muli %mul3A_49, %scan3A_48 : i32
      %dma_wait3A = arith.constant 0 : i32
      %dma_wait3A_51 = tpu.memref_slice %arg7[%mul3A_50, %dma_wait3A] : memref<40x128xi32, #tpu.memory_space<vmem>> -> memref<1x128xi32, #tpu.memory_space<vmem>>
      %dma_wait3A_52 = tpu.memref_squeeze %dma_wait3A_51 : memref<1x128xi32, #tpu.memory_space<vmem>> -> memref<128xi32, #tpu.memory_space<vmem>>
      %dma_wait3A_53 = arith.constant 0 : i32
      %dma_wait3A_54 = arith.constant 0 : i32
      %dma_wait3A_55 = tpu.memref_slice %arg2[%dma_wait3A_53, %dma_wait3A_54] : memref<10000x128xf32, #tpu.memory_space<hbm>> -> memref<10000x128xf32, #tpu.memory_space<hbm>>
      tpu.wait_indirect_dma semaphore(%arg12 : memref<!tpu.dma_semaphore, #tpu.memory_space<semaphore_mem>>) src(%dma_wait3A_55 : memref<10000x128xf32, #tpu.memory_space<hbm>>) dst(%arg9 : memref<128x128xf32, #tpu.memory_space<vmem>>)
      "tpu.region"() ({
        %run_scoped3A = tpu.sem_alloc : memref<!tpu.dma_semaphore, #tpu.memory_space<semaphore_mem>>
        %dma_start3A_77 = arith.constant 0 : i32
        %dma_start3A_78 = tpu.memref_slice %arg8[%mul3A_50, %dma_start3A_77] : memref<40x128xi32, #tpu.memory_space<vmem>> -> memref<1x128xi32, #tpu.memory_space<vmem>>
        %dma_start3A_79 = tpu.memref_squeeze %dma_start3A_78 : memref<1x128xi32, #tpu.memory_space<vmem>> -> memref<128xi32, #tpu.memory_space<vmem>>
        %dma_start3A_80 = arith.constant 0 : i32
        %dma_start3A_81 = arith.constant 0 : i32
        %dma_start3A_82 = tpu.memref_slice %arg11[%dma_start3A_80, %dma_start3A_81] : memref<10112x128xf32, #tpu.memory_space<vmem_shared>> -> memref<10112x128xf32, #tpu.memory_space<vmem_shared>>
        tpu.enqueue_indirect_dma source(%arg9 : memref<128x128xf32, #tpu.memory_space<vmem>>) target(%dma_start3A_82 : memref<10112x128xf32, #tpu.memory_space<vmem_shared>>) offsets(%dma_start3A_79 : memref<128xi32, #tpu.memory_space<vmem>>) semaphore(%run_scoped3A : memref<!tpu.dma_semaphore, #tpu.memory_space<semaphore_mem>>) {add = true}
        %dma_wait3A_83 = arith.constant 0 : i32
        %dma_wait3A_84 = tpu.memref_slice %arg8[%mul3A_50, %dma_wait3A_83] : memref<40x128xi32, #tpu.memory_space<vmem>> -> memref<1x128xi32, #tpu.memory_space<vmem>>
        %dma_wait3A_85 = tpu.memref_squeeze %dma_wait3A_84 : memref<1x128xi32, #tpu.memory_space<vmem>> -> memref<128xi32, #tpu.memory_space<vmem>>
        %dma_wait3A_86 = arith.constant 0 : i32
        %dma_wait3A_87 = arith.constant 0 : i32
        %dma_wait3A_88 = tpu.memref_slice %arg11[%dma_wait3A_86, %dma_wait3A_87] : memref<10112x128xf32, #tpu.memory_space<vmem_shared>> -> memref<10112x128xf32, #tpu.memory_space<vmem_shared>>
        tpu.wait_indirect_dma semaphore(%run_scoped3A : memref<!tpu.dma_semaphore, #tpu.memory_space<semaphore_mem>>) src(%arg9 : memref<128x128xf32, #tpu.memory_space<vmem>>) dst(%dma_wait3A_88 : memref<10112x128xf32, #tpu.memory_space<vmem_shared>>)
        tpu.yield
      }) : () -> ()
      %add3A_56 = arith.constant 2 : i32
      %add3A_57 = arith.addi %mul3A_50, %add3A_56 : i32
      %lt3A = arith.constant 40 : i32
      %lt3A_58 = arith.cmpi slt, %add3A_57, %lt3A : i32
      %convert_element_type3A = arith.extui %lt3A_58 : i1 to i32
      %cond3A = arith.constant 0 : i32
      %cond3A_59 = arith.cmpi ne, %convert_element_type3A, %cond3A : i32
      scf.if %cond3A_59 {
        %add3A_77 = arith.constant 2 : i32
        %add3A_78 = arith.addi %mul3A_50, %add3A_77 : i32
        %dma_start3A_79 = arith.constant 0 : i32
        %dma_start3A_80 = tpu.memref_slice %arg7[%add3A_78, %dma_start3A_79] : memref<40x128xi32, #tpu.memory_space<vmem>> -> memref<1x128xi32, #tpu.memory_space<vmem>>
        %dma_start3A_81 = tpu.memref_squeeze %dma_start3A_80 : memref<1x128xi32, #tpu.memory_space<vmem>> -> memref<128xi32, #tpu.memory_space<vmem>>
        %dma_start3A_82 = arith.constant 0 : i32
        %dma_start3A_83 = arith.constant 0 : i32
        %dma_start3A_84 = tpu.memref_slice %arg2[%dma_start3A_82, %dma_start3A_83] : memref<10000x128xf32, #tpu.memory_space<hbm>> -> memref<10000x128xf32, #tpu.memory_space<hbm>>
        tpu.enqueue_indirect_dma source(%dma_start3A_84 : memref<10000x128xf32, #tpu.memory_space<hbm>>) target(%arg9 : memref<128x128xf32, #tpu.memory_space<vmem>>) offsets(%dma_start3A_81 : memref<128xi32, #tpu.memory_space<vmem>>) semaphore(%arg12 : memref<!tpu.dma_semaphore, #tpu.memory_space<semaphore_mem>>)
      } else {
      }
      %mul3A_60 = arith.constant 2 : i32
      %mul3A_61 = arith.muli %mul3A_60, %scan3A_48 : i32
      %add3A_62 = arith.constant 1 : i32
      %add3A_63 = arith.addi %mul3A_61, %add3A_62 : i32
      %dma_wait3A_64 = arith.constant 0 : i32
      %dma_wait3A_65 = tpu.memref_slice %arg7[%add3A_63, %dma_wait3A_64] : memref<40x128xi32, #tpu.memory_space<vmem>> -> memref<1x128xi32, #tpu.memory_space<vmem>>
      %dma_wait3A_66 = tpu.memref_squeeze %dma_wait3A_65 : memref<1x128xi32, #tpu.memory_space<vmem>> -> memref<128xi32, #tpu.memory_space<vmem>>
      %dma_wait3A_67 = arith.constant 0 : i32
      %dma_wait3A_68 = arith.constant 0 : i32
      %dma_wait3A_69 = tpu.memref_slice %arg2[%dma_wait3A_67, %dma_wait3A_68] : memref<10000x128xf32, #tpu.memory_space<hbm>> -> memref<10000x128xf32, #tpu.memory_space<hbm>>
      tpu.wait_indirect_dma semaphore(%arg13 : memref<!tpu.dma_semaphore, #tpu.memory_space<semaphore_mem>>) src(%dma_wait3A_69 : memref<10000x128xf32, #tpu.memory_space<hbm>>) dst(%arg10 : memref<128x128xf32, #tpu.memory_space<vmem>>)
      "tpu.region"() ({
        %run_scoped3A = tpu.sem_alloc : memref<!tpu.dma_semaphore, #tpu.memory_space<semaphore_mem>>
        %dma_start3A_77 = arith.constant 0 : i32
        %dma_start3A_78 = tpu.memref_slice %arg8[%add3A_63, %dma_start3A_77] : memref<40x128xi32, #tpu.memory_space<vmem>> -> memref<1x128xi32, #tpu.memory_space<vmem>>
        %dma_start3A_79 = tpu.memref_squeeze %dma_start3A_78 : memref<1x128xi32, #tpu.memory_space<vmem>> -> memref<128xi32, #tpu.memory_space<vmem>>
        %dma_start3A_80 = arith.constant 0 : i32
        %dma_start3A_81 = arith.constant 0 : i32
        %dma_start3A_82 = tpu.memref_slice %arg11[%dma_start3A_80, %dma_start3A_81] : memref<10112x128xf32, #tpu.memory_space<vmem_shared>> -> memref<10112x128xf32, #tpu.memory_space<vmem_shared>>
        tpu.enqueue_indirect_dma source(%arg10 : memref<128x128xf32, #tpu.memory_space<vmem>>) target(%dma_start3A_82 : memref<10112x128xf32, #tpu.memory_space<vmem_shared>>) offsets(%dma_start3A_79 : memref<128xi32, #tpu.memory_space<vmem>>) semaphore(%run_scoped3A : memref<!tpu.dma_semaphore, #tpu.memory_space<semaphore_mem>>) {add = true}
        %dma_wait3A_83 = arith.constant 0 : i32
        %dma_wait3A_84 = tpu.memref_slice %arg8[%add3A_63, %dma_wait3A_83] : memref<40x128xi32, #tpu.memory_space<vmem>> -> memref<1x128xi32, #tpu.memory_space<vmem>>
        %dma_wait3A_85 = tpu.memref_squeeze %dma_wait3A_84 : memref<1x128xi32, #tpu.memory_space<vmem>> -> memref<128xi32, #tpu.memory_space<vmem>>
        %dma_wait3A_86 = arith.constant 0 : i32
        %dma_wait3A_87 = arith.constant 0 : i32
        %dma_wait3A_88 = tpu.memref_slice %arg11[%dma_wait3A_86, %dma_wait3A_87] : memref<10112x128xf32, #tpu.memory_space<vmem_shared>> -> memref<10112x128xf32, #tpu.memory_space<vmem_shared>>
        tpu.wait_indirect_dma semaphore(%run_scoped3A : memref<!tpu.dma_semaphore, #tpu.memory_space<semaphore_mem>>) src(%arg10 : memref<128x128xf32, #tpu.memory_space<vmem>>) dst(%dma_wait3A_88 : memref<10112x128xf32, #tpu.memory_space<vmem_shared>>)
        tpu.yield
      }) : () -> ()
      %add3A_70 = arith.constant 2 : i32
      %add3A_71 = arith.addi %add3A_63, %add3A_70 : i32
      %lt3A_72 = arith.constant 40 : i32
      %lt3A_73 = arith.cmpi slt, %add3A_71, %lt3A_72 : i32
      %convert_element_type3A_74 = arith.extui %lt3A_73 : i1 to i32
      %cond3A_75 = arith.constant 0 : i32
      %cond3A_76 = arith.cmpi ne, %convert_element_type3A_74, %cond3A_75 : i32
      scf.if %cond3A_76 {
        %add3A_77 = arith.constant 2 : i32
        %add3A_78 = arith.addi %add3A_63, %add3A_77 : i32
        %dma_start3A_79 = arith.constant 0 : i32
        %dma_start3A_80 = tpu.memref_slice %arg7[%add3A_78, %dma_start3A_79] : memref<40x128xi32, #tpu.memory_space<vmem>> -> memref<1x128xi32, #tpu.memory_space<vmem>>
        %dma_start3A_81 = tpu.memref_squeeze %dma_start3A_80 : memref<1x128xi32, #tpu.memory_space<vmem>> -> memref<128xi32, #tpu.memory_space<vmem>>
        %dma_start3A_82 = arith.constant 0 : i32
        %dma_start3A_83 = arith.constant 0 : i32
        %dma_start3A_84 = tpu.memref_slice %arg2[%dma_start3A_82, %dma_start3A_83] : memref<10000x128xf32, #tpu.memory_space<hbm>> -> memref<10000x128xf32, #tpu.memory_space<hbm>>
        tpu.enqueue_indirect_dma source(%dma_start3A_84 : memref<10000x128xf32, #tpu.memory_space<hbm>>) target(%arg10 : memref<128x128xf32, #tpu.memory_space<vmem>>) offsets(%dma_start3A_81 : memref<128xi32, #tpu.memory_space<vmem>>) semaphore(%arg13 : memref<!tpu.dma_semaphore, #tpu.memory_space<semaphore_mem>>)
      } else {
      }
    }
    %scan3A_22 = arith.constant 20 : i32
    "tpu.region"() ({
      %run_scoped3A = tpu.sem_alloc : memref<!tpu.dma_semaphore, #tpu.memory_space<semaphore_mem>>
      %dma_start3A_48 = arith.constant 0 : i32
      %dma_start3A_49 = arith.constant 0 : i32
      %dma_start3A_50 = tpu.memref_slice %arg3[%add3A, %dma_start3A_48, %dma_start3A_49] : memref<32x80x128xi32, #tpu.memory_space<hbm>> -> memref<1x80x128xi32, #tpu.memory_space<hbm>>
      %dma_start3A_51 = tpu.memref_squeeze %dma_start3A_50 : memref<1x80x128xi32, #tpu.memory_space<hbm>> -> memref<80x128xi32, #tpu.memory_space<hbm>>
      %dma_start3A_52 = arith.constant 40 : i32
      %dma_start3A_53 = arith.constant 0 : i32
      %dma_start3A_54 = tpu.memref_slice %dma_start3A_51[%dma_start3A_52, %dma_start3A_53] : memref<80x128xi32, #tpu.memory_space<hbm>> -> memref<40x128xi32, #tpu.memory_space<hbm>>
      %dma_start3A_55 = arith.constant 0 : i32
      %dma_start3A_56 = arith.constant 0 : i32
      %dma_start3A_57 = tpu.memref_slice %arg3[%add3A, %dma_start3A_55, %dma_start3A_56] : memref<32x80x128xi32, #tpu.memory_space<hbm>> -> memref<1x80x128xi32, #tpu.memory_space<hbm>>
      %dma_start3A_58 = tpu.memref_squeeze %dma_start3A_57 : memref<1x80x128xi32, #tpu.memory_space<hbm>> -> memref<80x128xi32, #tpu.memory_space<hbm>>
      %dma_start3A_59 = arith.constant 40 : i32
      %dma_start3A_60 = arith.constant 0 : i32
      %dma_start3A_61 = tpu.memref_slice %dma_start3A_58[%dma_start3A_59, %dma_start3A_60] : memref<80x128xi32, #tpu.memory_space<hbm>> -> memref<40x128xi32, #tpu.memory_space<hbm>>
      tpu.enqueue_dma source(%dma_start3A_61 : memref<40x128xi32, #tpu.memory_space<hbm>>) target(%arg7 : memref<40x128xi32, #tpu.memory_space<vmem>>) target_semaphore(%run_scoped3A : memref<!tpu.dma_semaphore, #tpu.memory_space<semaphore_mem>>)
      %dma_wait3A = arith.constant 0 : i32
      %dma_wait3A_62 = arith.constant 0 : i32
      %dma_wait3A_63 = tpu.memref_slice %arg3[%add3A, %dma_wait3A, %dma_wait3A_62] : memref<32x80x128xi32, #tpu.memory_space<hbm>> -> memref<1x80x128xi32, #tpu.memory_space<hbm>>
      %dma_wait3A_64 = tpu.memref_squeeze %dma_wait3A_63 : memref<1x80x128xi32, #tpu.memory_space<hbm>> -> memref<80x128xi32, #tpu.memory_space<hbm>>
      %dma_wait3A_65 = arith.constant 40 : i32
      %dma_wait3A_66 = arith.constant 0 : i32
      %dma_wait3A_67 = tpu.memref_slice %dma_wait3A_64[%dma_wait3A_65, %dma_wait3A_66] : memref<80x128xi32, #tpu.memory_space<hbm>> -> memref<40x128xi32, #tpu.memory_space<hbm>>
      %dma_wait3A_68 = arith.constant 0 : i32
      %dma_wait3A_69 = arith.constant 0 : i32
      %dma_wait3A_70 = tpu.memref_slice %arg3[%add3A, %dma_wait3A_68, %dma_wait3A_69] : memref<32x80x128xi32, #tpu.memory_space<hbm>> -> memref<1x80x128xi32, #tpu.memory_space<hbm>>
      %dma_wait3A_71 = tpu.memref_squeeze %dma_wait3A_70 : memref<1x80x128xi32, #tpu.memory_space<hbm>> -> memref<80x128xi32, #tpu.memory_space<hbm>>
      %dma_wait3A_72 = arith.constant 40 : i32
      %dma_wait3A_73 = arith.constant 0 : i32
      %dma_wait3A_74 = tpu.memref_slice %dma_wait3A_71[%dma_wait3A_72, %dma_wait3A_73] : memref<80x128xi32, #tpu.memory_space<hbm>> -> memref<40x128xi32, #tpu.memory_space<hbm>>
      tpu.wait_dma2 semaphore(%run_scoped3A : memref<!tpu.dma_semaphore, #tpu.memory_space<semaphore_mem>>) src(%dma_wait3A_74 : memref<40x128xi32, #tpu.memory_space<hbm>>) dst(%arg7 : memref<40x128xi32, #tpu.memory_space<vmem>>)
      tpu.yield
    }) : () -> ()
    "tpu.region"() ({
      %run_scoped3A = tpu.sem_alloc : memref<!tpu.dma_semaphore, #tpu.memory_space<semaphore_mem>>
      %dma_start3A_48 = arith.constant 0 : i32
      %dma_start3A_49 = arith.constant 0 : i32
      %dma_start3A_50 = tpu.memref_slice %arg4[%add3A, %dma_start3A_48, %dma_start3A_49] : memref<32x80x128xi32, #tpu.memory_space<hbm>> -> memref<1x80x128xi32, #tpu.memory_space<hbm>>
      %dma_start3A_51 = tpu.memref_squeeze %dma_start3A_50 : memref<1x80x128xi32, #tpu.memory_space<hbm>> -> memref<80x128xi32, #tpu.memory_space<hbm>>
      %dma_start3A_52 = arith.constant 40 : i32
      %dma_start3A_53 = arith.constant 0 : i32
      %dma_start3A_54 = tpu.memref_slice %dma_start3A_51[%dma_start3A_52, %dma_start3A_53] : memref<80x128xi32, #tpu.memory_space<hbm>> -> memref<40x128xi32, #tpu.memory_space<hbm>>
      %dma_start3A_55 = arith.constant 0 : i32
      %dma_start3A_56 = arith.constant 0 : i32
      %dma_start3A_57 = tpu.memref_slice %arg4[%add3A, %dma_start3A_55, %dma_start3A_56] : memref<32x80x128xi32, #tpu.memory_space<hbm>> -> memref<1x80x128xi32, #tpu.memory_space<hbm>>
      %dma_start3A_58 = tpu.memref_squeeze %dma_start3A_57 : memref<1x80x128xi32, #tpu.memory_space<hbm>> -> memref<80x128xi32, #tpu.memory_space<hbm>>
      %dma_start3A_59 = arith.constant 40 : i32
      %dma_start3A_60 = arith.constant 0 : i32
      %dma_start3A_61 = tpu.memref_slice %dma_start3A_58[%dma_start3A_59, %dma_start3A_60] : memref<80x128xi32, #tpu.memory_space<hbm>> -> memref<40x128xi32, #tpu.memory_space<hbm>>
      tpu.enqueue_dma source(%dma_start3A_61 : memref<40x128xi32, #tpu.memory_space<hbm>>) target(%arg8 : memref<40x128xi32, #tpu.memory_space<vmem>>) target_semaphore(%run_scoped3A : memref<!tpu.dma_semaphore, #tpu.memory_space<semaphore_mem>>)
      %dma_wait3A = arith.constant 0 : i32
      %dma_wait3A_62 = arith.constant 0 : i32
      %dma_wait3A_63 = tpu.memref_slice %arg4[%add3A, %dma_wait3A, %dma_wait3A_62] : memref<32x80x128xi32, #tpu.memory_space<hbm>> -> memref<1x80x128xi32, #tpu.memory_space<hbm>>
      %dma_wait3A_64 = tpu.memref_squeeze %dma_wait3A_63 : memref<1x80x128xi32, #tpu.memory_space<hbm>> -> memref<80x128xi32, #tpu.memory_space<hbm>>
      %dma_wait3A_65 = arith.constant 40 : i32
      %dma_wait3A_66 = arith.constant 0 : i32
      %dma_wait3A_67 = tpu.memref_slice %dma_wait3A_64[%dma_wait3A_65, %dma_wait3A_66] : memref<80x128xi32, #tpu.memory_space<hbm>> -> memref<40x128xi32, #tpu.memory_space<hbm>>
      %dma_wait3A_68 = arith.constant 0 : i32
      %dma_wait3A_69 = arith.constant 0 : i32
      %dma_wait3A_70 = tpu.memref_slice %arg4[%add3A, %dma_wait3A_68, %dma_wait3A_69] : memref<32x80x128xi32, #tpu.memory_space<hbm>> -> memref<1x80x128xi32, #tpu.memory_space<hbm>>
      %dma_wait3A_71 = tpu.memref_squeeze %dma_wait3A_70 : memref<1x80x128xi32, #tpu.memory_space<hbm>> -> memref<80x128xi32, #tpu.memory_space<hbm>>
      %dma_wait3A_72 = arith.constant 40 : i32
      %dma_wait3A_73 = arith.constant 0 : i32
      %dma_wait3A_74 = tpu.memref_slice %dma_wait3A_71[%dma_wait3A_72, %dma_wait3A_73] : memref<80x128xi32, #tpu.memory_space<hbm>> -> memref<40x128xi32, #tpu.memory_space<hbm>>
      tpu.wait_dma2 semaphore(%run_scoped3A : memref<!tpu.dma_semaphore, #tpu.memory_space<semaphore_mem>>) src(%dma_wait3A_74 : memref<40x128xi32, #tpu.memory_space<hbm>>) dst(%arg8 : memref<40x128xi32, #tpu.memory_space<vmem>>)
      tpu.yield
    }) : () -> ()
    %dma_start3A_23 = arith.constant 0 : i32
    %dma_start3A_24 = arith.constant 0 : i32
    %dma_start3A_25 = tpu.memref_slice %arg7[%dma_start3A_23, %dma_start3A_24] : memref<40x128xi32, #tpu.memory_space<vmem>> -> memref<1x128xi32, #tpu.memory_space<vmem>>
    %dma_start3A_26 = tpu.memref_squeeze %dma_start3A_25 : memref<1x128xi32, #tpu.memory_space<vmem>> -> memref<128xi32, #tpu.memory_space<vmem>>
    %dma_start3A_27 = arith.constant 0 : i32
    %dma_start3A_28 = arith.constant 0 : i32
    %dma_start3A_29 = tpu.memref_slice %arg2[%dma_start3A_27, %dma_start3A_28] : memref<10000x128xf32, #tpu.memory_space<hbm>> -> memref<10000x128xf32, #tpu.memory_space<hbm>>
    tpu.enqueue_indirect_dma source(%dma_start3A_29 : memref<10000x128xf32, #tpu.memory_space<hbm>>) target(%arg9 : memref<128x128xf32, #tpu.memory_space<vmem>>) offsets(%dma_start3A_26 : memref<128xi32, #tpu.memory_space<vmem>>) semaphore(%arg12 : memref<!tpu.dma_semaphore, #tpu.memory_space<semaphore_mem>>)
    %dma_start3A_30 = arith.constant 1 : i32
    %dma_start3A_31 = arith.constant 0 : i32
    %dma_start3A_32 = tpu.memref_slice %arg7[%dma_start3A_30, %dma_start3A_31] : memref<40x128xi32, #tpu.memory_space<vmem>> -> memref<1x128xi32, #tpu.memory_space<vmem>>
    %dma_start3A_33 = tpu.memref_squeeze %dma_start3A_32 : memref<1x128xi32, #tpu.memory_space<vmem>> -> memref<128xi32, #tpu.memory_space<vmem>>
    %dma_start3A_34 = arith.constant 0 : i32
    %dma_start3A_35 = arith.constant 0 : i32
    %dma_start3A_36 = tpu.memref_slice %arg2[%dma_start3A_34, %dma_start3A_35] : memref<10000x128xf32, #tpu.memory_space<hbm>> -> memref<10000x128xf32, #tpu.memory_space<hbm>>
    tpu.enqueue_indirect_dma source(%dma_start3A_36 : memref<10000x128xf32, #tpu.memory_space<hbm>>) target(%arg10 : memref<128x128xf32, #tpu.memory_space<vmem>>) offsets(%dma_start3A_33 : memref<128xi32, #tpu.memory_space<vmem>>) semaphore(%arg13 : memref<!tpu.dma_semaphore, #tpu.memory_space<semaphore_mem>>)
    %scan3A_37 = arith.constant 0 : i32
    %scan3A_38 = arith.constant 0 : i32
    %scan3A_39 = arith.constant 20 : i32
    %scan3A_40 = arith.addi %scan3A_38, %scan3A_39 : i32
    %scan3A_41 = arith.constant 1 : i32
    scf.for %scan3A_48 = %scan3A_38 to %scan3A_40 step %scan3A_41  : i32 {
      %mul3A_49 = arith.constant 2 : i32
      %mul3A_50 = arith.muli %mul3A_49, %scan3A_48 : i32
      %dma_wait3A = arith.constant 0 : i32
      %dma_wait3A_51 = tpu.memref_slice %arg7[%mul3A_50, %dma_wait3A] : memref<40x128xi32, #tpu.memory_space<vmem>> -> memref<1x128xi32, #tpu.memory_space<vmem>>
      %dma_wait3A_52 = tpu.memref_squeeze %dma_wait3A_51 : memref<1x128xi32, #tpu.memory_space<vmem>> -> memref<128xi32, #tpu.memory_space<vmem>>
      %dma_wait3A_53 = arith.constant 0 : i32
      %dma_wait3A_54 = arith.constant 0 : i32
      %dma_wait3A_55 = tpu.memref_slice %arg2[%dma_wait3A_53, %dma_wait3A_54] : memref<10000x128xf32, #tpu.memory_space<hbm>> -> memref<10000x128xf32, #tpu.memory_space<hbm>>
      tpu.wait_indirect_dma semaphore(%arg12 : memref<!tpu.dma_semaphore, #tpu.memory_space<semaphore_mem>>) src(%dma_wait3A_55 : memref<10000x128xf32, #tpu.memory_space<hbm>>) dst(%arg9 : memref<128x128xf32, #tpu.memory_space<vmem>>)
      "tpu.region"() ({
        %run_scoped3A = tpu.sem_alloc : memref<!tpu.dma_semaphore, #tpu.memory_space<semaphore_mem>>
        %dma_start3A_77 = arith.constant 0 : i32
        %dma_start3A_78 = tpu.memref_slice %arg8[%mul3A_50, %dma_start3A_77] : memref<40x128xi32, #tpu.memory_space<vmem>> -> memref<1x128xi32, #tpu.memory_space<vmem>>
        %dma_start3A_79 = tpu.memref_squeeze %dma_start3A_78 : memref<1x128xi32, #tpu.memory_space<vmem>> -> memref<128xi32, #tpu.memory_space<vmem>>
        %dma_start3A_80 = arith.constant 0 : i32
        %dma_start3A_81 = arith.constant 0 : i32
        %dma_start3A_82 = tpu.memref_slice %arg11[%dma_start3A_80, %dma_start3A_81] : memref<10112x128xf32, #tpu.memory_space<vmem_shared>> -> memref<10112x128xf32, #tpu.memory_space<vmem_shared>>
        tpu.enqueue_indirect_dma source(%arg9 : memref<128x128xf32, #tpu.memory_space<vmem>>) target(%dma_start3A_82 : memref<10112x128xf32, #tpu.memory_space<vmem_shared>>) offsets(%dma_start3A_79 : memref<128xi32, #tpu.memory_space<vmem>>) semaphore(%run_scoped3A : memref<!tpu.dma_semaphore, #tpu.memory_space<semaphore_mem>>) {add = true}
        %dma_wait3A_83 = arith.constant 0 : i32
        %dma_wait3A_84 = tpu.memref_slice %arg8[%mul3A_50, %dma_wait3A_83] : memref<40x128xi32, #tpu.memory_space<vmem>> -> memref<1x128xi32, #tpu.memory_space<vmem>>
        %dma_wait3A_85 = tpu.memref_squeeze %dma_wait3A_84 : memref<1x128xi32, #tpu.memory_space<vmem>> -> memref<128xi32, #tpu.memory_space<vmem>>
        %dma_wait3A_86 = arith.constant 0 : i32
        %dma_wait3A_87 = arith.constant 0 : i32
        %dma_wait3A_88 = tpu.memref_slice %arg11[%dma_wait3A_86, %dma_wait3A_87] : memref<10112x128xf32, #tpu.memory_space<vmem_shared>> -> memref<10112x128xf32, #tpu.memory_space<vmem_shared>>
        tpu.wait_indirect_dma semaphore(%run_scoped3A : memref<!tpu.dma_semaphore, #tpu.memory_space<semaphore_mem>>) src(%arg9 : memref<128x128xf32, #tpu.memory_space<vmem>>) dst(%dma_wait3A_88 : memref<10112x128xf32, #tpu.memory_space<vmem_shared>>)
        tpu.yield
      }) : () -> ()
      %add3A_56 = arith.constant 2 : i32
      %add3A_57 = arith.addi %mul3A_50, %add3A_56 : i32
      %lt3A = arith.constant 40 : i32
      %lt3A_58 = arith.cmpi slt, %add3A_57, %lt3A : i32
      %convert_element_type3A = arith.extui %lt3A_58 : i1 to i32
      %cond3A = arith.constant 0 : i32
      %cond3A_59 = arith.cmpi ne, %convert_element_type3A, %cond3A : i32
      scf.if %cond3A_59 {
        %add3A_77 = arith.constant 2 : i32
        %add3A_78 = arith.addi %mul3A_50, %add3A_77 : i32
        %dma_start3A_79 = arith.constant 0 : i32
        %dma_start3A_80 = tpu.memref_slice %arg7[%add3A_78, %dma_start3A_79] : memref<40x128xi32, #tpu.memory_space<vmem>> -> memref<1x128xi32, #tpu.memory_space<vmem>>
        %dma_start3A_81 = tpu.memref_squeeze %dma_start3A_80 : memref<1x128xi32, #tpu.memory_space<vmem>> -> memref<128xi32, #tpu.memory_space<vmem>>
        %dma_start3A_82 = arith.constant 0 : i32
        %dma_start3A_83 = arith.constant 0 : i32
        %dma_start3A_84 = tpu.memref_slice %arg2[%dma_start3A_82, %dma_start3A_83] : memref<10000x128xf32, #tpu.memory_space<hbm>> -> memref<10000x128xf32, #tpu.memory_space<hbm>>
        tpu.enqueue_indirect_dma source(%dma_start3A_84 : memref<10000x128xf32, #tpu.memory_space<hbm>>) target(%arg9 : memref<128x128xf32, #tpu.memory_space<vmem>>) offsets(%dma_start3A_81 : memref<128xi32, #tpu.memory_space<vmem>>) semaphore(%arg12 : memref<!tpu.dma_semaphore, #tpu.memory_space<semaphore_mem>>)
      } else {
      }
      %mul3A_60 = arith.constant 2 : i32
      %mul3A_61 = arith.muli %mul3A_60, %scan3A_48 : i32
      %add3A_62 = arith.constant 1 : i32
      %add3A_63 = arith.addi %mul3A_61, %add3A_62 : i32
      %dma_wait3A_64 = arith.constant 0 : i32
      %dma_wait3A_65 = tpu.memref_slice %arg7[%add3A_63, %dma_wait3A_64] : memref<40x128xi32, #tpu.memory_space<vmem>> -> memref<1x128xi32, #tpu.memory_space<vmem>>
      %dma_wait3A_66 = tpu.memref_squeeze %dma_wait3A_65 : memref<1x128xi32, #tpu.memory_space<vmem>> -> memref<128xi32, #tpu.memory_space<vmem>>
      %dma_wait3A_67 = arith.constant 0 : i32
      %dma_wait3A_68 = arith.constant 0 : i32
      %dma_wait3A_69 = tpu.memref_slice %arg2[%dma_wait3A_67, %dma_wait3A_68] : memref<10000x128xf32, #tpu.memory_space<hbm>> -> memref<10000x128xf32, #tpu.memory_space<hbm>>
      tpu.wait_indirect_dma semaphore(%arg13 : memref<!tpu.dma_semaphore, #tpu.memory_space<semaphore_mem>>) src(%dma_wait3A_69 : memref<10000x128xf32, #tpu.memory_space<hbm>>) dst(%arg10 : memref<128x128xf32, #tpu.memory_space<vmem>>)
      "tpu.region"() ({
        %run_scoped3A = tpu.sem_alloc : memref<!tpu.dma_semaphore, #tpu.memory_space<semaphore_mem>>
        %dma_start3A_77 = arith.constant 0 : i32
        %dma_start3A_78 = tpu.memref_slice %arg8[%add3A_63, %dma_start3A_77] : memref<40x128xi32, #tpu.memory_space<vmem>> -> memref<1x128xi32, #tpu.memory_space<vmem>>
        %dma_start3A_79 = tpu.memref_squeeze %dma_start3A_78 : memref<1x128xi32, #tpu.memory_space<vmem>> -> memref<128xi32, #tpu.memory_space<vmem>>
        %dma_start3A_80 = arith.constant 0 : i32
        %dma_start3A_81 = arith.constant 0 : i32
        %dma_start3A_82 = tpu.memref_slice %arg11[%dma_start3A_80, %dma_start3A_81] : memref<10112x128xf32, #tpu.memory_space<vmem_shared>> -> memref<10112x128xf32, #tpu.memory_space<vmem_shared>>
        tpu.enqueue_indirect_dma source(%arg10 : memref<128x128xf32, #tpu.memory_space<vmem>>) target(%dma_start3A_82 : memref<10112x128xf32, #tpu.memory_space<vmem_shared>>) offsets(%dma_start3A_79 : memref<128xi32, #tpu.memory_space<vmem>>) semaphore(%run_scoped3A : memref<!tpu.dma_semaphore, #tpu.memory_space<semaphore_mem>>) {add = true}
        %dma_wait3A_83 = arith.constant 0 : i32
        %dma_wait3A_84 = tpu.memref_slice %arg8[%add3A_63, %dma_wait3A_83] : memref<40x128xi32, #tpu.memory_space<vmem>> -> memref<1x128xi32, #tpu.memory_space<vmem>>
        %dma_wait3A_85 = tpu.memref_squeeze %dma_wait3A_84 : memref<1x128xi32, #tpu.memory_space<vmem>> -> memref<128xi32, #tpu.memory_space<vmem>>
        %dma_wait3A_86 = arith.constant 0 : i32
        %dma_wait3A_87 = arith.constant 0 : i32
        %dma_wait3A_88 = tpu.memref_slice %arg11[%dma_wait3A_86, %dma_wait3A_87] : memref<10112x128xf32, #tpu.memory_space<vmem_shared>> -> memref<10112x128xf32, #tpu.memory_space<vmem_shared>>
        tpu.wait_indirect_dma semaphore(%run_scoped3A : memref<!tpu.dma_semaphore, #tpu.memory_space<semaphore_mem>>) src(%arg10 : memref<128x128xf32, #tpu.memory_space<vmem>>) dst(%dma_wait3A_88 : memref<10112x128xf32, #tpu.memory_space<vmem_shared>>)
        tpu.yield
      }) : () -> ()
      %add3A_70 = arith.constant 2 : i32
      %add3A_71 = arith.addi %add3A_63, %add3A_70 : i32
      %lt3A_72 = arith.constant 40 : i32
      %lt3A_73 = arith.cmpi slt, %add3A_71, %lt3A_72 : i32
      %convert_element_type3A_74 = arith.extui %lt3A_73 : i1 to i32
      %cond3A_75 = arith.constant 0 : i32
      %cond3A_76 = arith.cmpi ne, %convert_element_type3A_74, %cond3A_75 : i32
      scf.if %cond3A_76 {
        %add3A_77 = arith.constant 2 : i32
        %add3A_78 = arith.addi %add3A_63, %add3A_77 : i32
        %dma_start3A_79 = arith.constant 0 : i32
        %dma_start3A_80 = tpu.memref_slice %arg7[%add3A_78, %dma_start3A_79] : memref<40x128xi32, #tpu.memory_space<vmem>> -> memref<1x128xi32, #tpu.memory_space<vmem>>
        %dma_start3A_81 = tpu.memref_squeeze %dma_start3A_80 : memref<1x128xi32, #tpu.memory_space<vmem>> -> memref<128xi32, #tpu.memory_space<vmem>>
        %dma_start3A_82 = arith.constant 0 : i32
        %dma_start3A_83 = arith.constant 0 : i32
        %dma_start3A_84 = tpu.memref_slice %arg2[%dma_start3A_82, %dma_start3A_83] : memref<10000x128xf32, #tpu.memory_space<hbm>> -> memref<10000x128xf32, #tpu.memory_space<hbm>>
        tpu.enqueue_indirect_dma source(%dma_start3A_84 : memref<10000x128xf32, #tpu.memory_space<hbm>>) target(%arg10 : memref<128x128xf32, #tpu.memory_space<vmem>>) offsets(%dma_start3A_81 : memref<128xi32, #tpu.memory_space<vmem>>) semaphore(%arg13 : memref<!tpu.dma_semaphore, #tpu.memory_space<semaphore_mem>>)
      } else {
      }
    }
    %scan3A_42 = arith.constant 20 : i32
    %barrier3A_43 = arith.constant 0 : index
    tpu.barrier barrier_id(%barrier3A_43)
    %mul3A_44 = arith.constant 632 : i32
    %mul3A_45 = arith.muli %arg1, %mul3A_44 : i32
    %mul3A_46 = arith.constant 632 : i32
    %mul3A_47 = arith.muli %arg1, %mul3A_46 : i32
    "tpu.region"() ({
      %run_scoped3A = tpu.sem_alloc : memref<!tpu.dma_semaphore, #tpu.memory_space<semaphore_mem>>
      %dma_start3A_48 = arith.constant 0 : i32
      %dma_start3A_49 = tpu.memref_slice %arg6[%arg0, %mul3A_47, %dma_start3A_48] : memref<2x10112x128xf32, #tpu.memory_space<hbm>> -> memref<1x632x128xf32, #tpu.memory_space<hbm>>
      %dma_start3A_50 = tpu.memref_squeeze %dma_start3A_49 : memref<1x632x128xf32, #tpu.memory_space<hbm>> -> memref<632x128xf32, #tpu.memory_space<hbm>>
      %dma_start3A_51 = arith.constant 0 : i32
      %dma_start3A_52 = tpu.memref_slice %arg11[%mul3A_45, %dma_start3A_51] : memref<10112x128xf32, #tpu.memory_space<vmem_shared>> -> memref<632x128xf32, #tpu.memory_space<vmem_shared>>
      tpu.enqueue_dma source(%dma_start3A_52 : memref<632x128xf32, #tpu.memory_space<vmem_shared>>) target(%dma_start3A_50 : memref<632x128xf32, #tpu.memory_space<hbm>>) target_semaphore(%run_scoped3A : memref<!tpu.dma_semaphore, #tpu.memory_space<semaphore_mem>>)
      %dma_wait3A = arith.constant 0 : i32
      %dma_wait3A_53 = tpu.memref_slice %arg6[%arg0, %mul3A_47, %dma_wait3A] : memref<2x10112x128xf32, #tpu.memory_space<hbm>> -> memref<1x632x128xf32, #tpu.memory_space<hbm>>
      %dma_wait3A_54 = tpu.memref_squeeze %dma_wait3A_53 : memref<1x632x128xf32, #tpu.memory_space<hbm>> -> memref<632x128xf32, #tpu.memory_space<hbm>>
      %dma_wait3A_55 = arith.constant 0 : i32
      %dma_wait3A_56 = tpu.memref_slice %arg11[%mul3A_45, %dma_wait3A_55] : memref<10112x128xf32, #tpu.memory_space<vmem_shared>> -> memref<632x128xf32, #tpu.memory_space<vmem_shared>>
      tpu.wait_dma2 semaphore(%run_scoped3A : memref<!tpu.dma_semaphore, #tpu.memory_space<semaphore_mem>>) src(%dma_wait3A_56 : memref<632x128xf32, #tpu.memory_space<vmem_shared>>) dst(%dma_wait3A_54 : memref<632x128xf32, #tpu.memory_space<hbm>>)
      tpu.yield
    }) : () -> ()
    return
  }
}

#map = affine_map<(d0, d1) -> (0, 0)>
#map1 = affine_map<(d0, d1) -> (0, 0, 0)>
module attributes {stable_mosaic.version = 14 : i64} {
  func.func @agg_kernel(%arg0: i32, %arg1: i32, %arg2: memref<10000x128xf32, #tpu.memory_space<hbm>>, %arg3: memref<32x80x128xi32, #tpu.memory_space<hbm>>, %arg4: memref<32x80x128xi32, #tpu.memory_space<hbm>>, %arg5: memref<10112x128xf32, #tpu.memory_space<hbm>>, %arg6: memref<2x10112x128xf32, #tpu.memory_space<hbm>>, %arg7: memref<40x128xi32, #tpu.memory_space<vmem>>, %arg8: memref<40x128xi32, #tpu.memory_space<vmem>>, %arg9: memref<128x128xf32, #tpu.memory_space<vmem>>, %arg10: memref<128x128xf32, #tpu.memory_space<vmem>>, %arg11: memref<10112x128xf32, #tpu.memory_space<vmem_shared>>, %arg12: memref<!tpu.dma_semaphore, #tpu.memory_space<semaphore_mem>>, %arg13: memref<!tpu.dma_semaphore, #tpu.memory_space<semaphore_mem>>) attributes {dimension_semantics = [#tpu.dimension_semantics<core_parallel>, #tpu.dimension_semantics<subcore_parallel>], iteration_bounds = array<i64: 2, 16>, scalar_prefetch = 0 : i64, scratch_operands = 7 : i64, tpu.core_type = #tpu.core_type<sc_vector_subcore>, window_params = [{transform_indices = #map}, {transform_indices = #map1}, {transform_indices = #map1}, {transform_indices = #map}, {transform_indices = #map1}]} {
    %mul3A = arith.constant 16 : i32
    %mul3A_0 = arith.muli %arg0, %mul3A : i32
    %add3A = arith.addi %mul3A_0, %arg1 : i32
    %mul3A_1 = arith.constant 632 : i32
    %mul3A_2 = arith.muli %arg1, %mul3A_1 : i32
    %mul3A_3 = arith.constant 632 : i32
    %mul3A_4 = arith.muli %arg1, %mul3A_3 : i32
    "tpu.region"() ({
      %run_scoped3A = tpu.sem_alloc : memref<!tpu.dma_semaphore, #tpu.memory_space<semaphore_mem>>
      %dma_start3A_48 = arith.constant 0 : i32
      %dma_start3A_49 = tpu.memref_slice %arg11[%mul3A_4, %dma_start3A_48] : memref<10112x128xf32, #tpu.memory_space<vmem_shared>> -> memref<632x128xf32, #tpu.memory_space<vmem_shared>>
      %dma_start3A_50 = arith.constant 0 : i32
      %dma_start3A_51 = tpu.memref_slice %arg5[%mul3A_2, %dma_start3A_50] : memref<10112x128xf32, #tpu.memory_space<hbm>> -> memref<632x128xf32, #tpu.memory_space<hbm>>
      tpu.enqueue_dma source(%dma_start3A_51 : memref<632x128xf32, #tpu.memory_space<hbm>>) target(%dma_start3A_49 : memref<632x128xf32, #tpu.memory_space<vmem_shared>>) target_semaphore(%run_scoped3A : memref<!tpu.dma_semaphore, #tpu.memory_space<semaphore_mem>>)
      %dma_wait3A = arith.constant 0 : i32
      %dma_wait3A_52 = tpu.memref_slice %arg11[%mul3A_4, %dma_wait3A] : memref<10112x128xf32, #tpu.memory_space<vmem_shared>> -> memref<632x128xf32, #tpu.memory_space<vmem_shared>>
      %dma_wait3A_53 = arith.constant 0 : i32
      %dma_wait3A_54 = tpu.memref_slice %arg5[%mul3A_2, %dma_wait3A_53] : memref<10112x128xf32, #tpu.memory_space<hbm>> -> memref<632x128xf32, #tpu.memory_space<hbm>>
      tpu.wait_dma2 semaphore(%run_scoped3A : memref<!tpu.dma_semaphore, #tpu.memory_space<semaphore_mem>>) src(%dma_wait3A_54 : memref<632x128xf32, #tpu.memory_space<hbm>>) dst(%dma_wait3A_52 : memref<632x128xf32, #tpu.memory_space<vmem_shared>>)
      tpu.yield
    }) : () -> ()
    %barrier3A = arith.constant 0 : index
    tpu.barrier barrier_id(%barrier3A)
    "tpu.region"() ({
      %run_scoped3A = tpu.sem_alloc : memref<!tpu.dma_semaphore, #tpu.memory_space<semaphore_mem>>
      %dma_start3A_48 = arith.constant 0 : i32
      %dma_start3A_49 = arith.constant 0 : i32
      %dma_start3A_50 = tpu.memref_slice %arg3[%add3A, %dma_start3A_48, %dma_start3A_49] : memref<32x80x128xi32, #tpu.memory_space<hbm>> -> memref<1x80x128xi32, #tpu.memory_space<hbm>>
      %dma_start3A_51 = tpu.memref_squeeze %dma_start3A_50 : memref<1x80x128xi32, #tpu.memory_space<hbm>> -> memref<80x128xi32, #tpu.memory_space<hbm>>
      %dma_start3A_52 = arith.constant 0 : i32
      %dma_start3A_53 = arith.constant 0 : i32
      %dma_start3A_54 = tpu.memref_slice %dma_start3A_51[%dma_start3A_52, %dma_start3A_53] : memref<80x128xi32, #tpu.memory_space<hbm>> -> memref<40x128xi32, #tpu.memory_space<hbm>>
      %dma_start3A_55 = arith.constant 0 : i32
      %dma_start3A_56 = arith.constant 0 : i32
      %dma_start3A_57 = tpu.memref_slice %arg3[%add3A, %dma_start3A_55, %dma_start3A_56] : memref<32x80x128xi32, #tpu.memory_space<hbm>> -> memref<1x80x128xi32, #tpu.memory_space<hbm>>
      %dma_start3A_58 = tpu.memref_squeeze %dma_start3A_57 : memref<1x80x128xi32, #tpu.memory_space<hbm>> -> memref<80x128xi32, #tpu.memory_space<hbm>>
      %dma_start3A_59 = arith.constant 0 : i32
      %dma_start3A_60 = arith.constant 0 : i32
      %dma_start3A_61 = tpu.memref_slice %dma_start3A_58[%dma_start3A_59, %dma_start3A_60] : memref<80x128xi32, #tpu.memory_space<hbm>> -> memref<40x128xi32, #tpu.memory_space<hbm>>
      tpu.enqueue_dma source(%dma_start3A_61 : memref<40x128xi32, #tpu.memory_space<hbm>>) target(%arg7 : memref<40x128xi32, #tpu.memory_space<vmem>>) target_semaphore(%run_scoped3A : memref<!tpu.dma_semaphore, #tpu.memory_space<semaphore_mem>>)
      %dma_wait3A = arith.constant 0 : i32
      %dma_wait3A_62 = arith.constant 0 : i32
      %dma_wait3A_63 = tpu.memref_slice %arg3[%add3A, %dma_wait3A, %dma_wait3A_62] : memref<32x80x128xi32, #tpu.memory_space<hbm>> -> memref<1x80x128xi32, #tpu.memory_space<hbm>>
      %dma_wait3A_64 = tpu.memref_squeeze %dma_wait3A_63 : memref<1x80x128xi32, #tpu.memory_space<hbm>> -> memref<80x128xi32, #tpu.memory_space<hbm>>
      %dma_wait3A_65 = arith.constant 0 : i32
      %dma_wait3A_66 = arith.constant 0 : i32
      %dma_wait3A_67 = tpu.memref_slice %dma_wait3A_64[%dma_wait3A_65, %dma_wait3A_66] : memref<80x128xi32, #tpu.memory_space<hbm>> -> memref<40x128xi32, #tpu.memory_space<hbm>>
      %dma_wait3A_68 = arith.constant 0 : i32
      %dma_wait3A_69 = arith.constant 0 : i32
      %dma_wait3A_70 = tpu.memref_slice %arg3[%add3A, %dma_wait3A_68, %dma_wait3A_69] : memref<32x80x128xi32, #tpu.memory_space<hbm>> -> memref<1x80x128xi32, #tpu.memory_space<hbm>>
      %dma_wait3A_71 = tpu.memref_squeeze %dma_wait3A_70 : memref<1x80x128xi32, #tpu.memory_space<hbm>> -> memref<80x128xi32, #tpu.memory_space<hbm>>
      %dma_wait3A_72 = arith.constant 0 : i32
      %dma_wait3A_73 = arith.constant 0 : i32
      %dma_wait3A_74 = tpu.memref_slice %dma_wait3A_71[%dma_wait3A_72, %dma_wait3A_73] : memref<80x128xi32, #tpu.memory_space<hbm>> -> memref<40x128xi32, #tpu.memory_space<hbm>>
      tpu.wait_dma2 semaphore(%run_scoped3A : memref<!tpu.dma_semaphore, #tpu.memory_space<semaphore_mem>>) src(%dma_wait3A_74 : memref<40x128xi32, #tpu.memory_space<hbm>>) dst(%arg7 : memref<40x128xi32, #tpu.memory_space<vmem>>)
      tpu.yield
    }) : () -> ()
    "tpu.region"() ({
      %run_scoped3A = tpu.sem_alloc : memref<!tpu.dma_semaphore, #tpu.memory_space<semaphore_mem>>
      %dma_start3A_48 = arith.constant 0 : i32
      %dma_start3A_49 = arith.constant 0 : i32
      %dma_start3A_50 = tpu.memref_slice %arg4[%add3A, %dma_start3A_48, %dma_start3A_49] : memref<32x80x128xi32, #tpu.memory_space<hbm>> -> memref<1x80x128xi32, #tpu.memory_space<hbm>>
      %dma_start3A_51 = tpu.memref_squeeze %dma_start3A_50 : memref<1x80x128xi32, #tpu.memory_space<hbm>> -> memref<80x128xi32, #tpu.memory_space<hbm>>
      %dma_start3A_52 = arith.constant 0 : i32
      %dma_start3A_53 = arith.constant 0 : i32
      %dma_start3A_54 = tpu.memref_slice %dma_start3A_51[%dma_start3A_52, %dma_start3A_53] : memref<80x128xi32, #tpu.memory_space<hbm>> -> memref<40x128xi32, #tpu.memory_space<hbm>>
      %dma_start3A_55 = arith.constant 0 : i32
      %dma_start3A_56 = arith.constant 0 : i32
      %dma_start3A_57 = tpu.memref_slice %arg4[%add3A, %dma_start3A_55, %dma_start3A_56] : memref<32x80x128xi32, #tpu.memory_space<hbm>> -> memref<1x80x128xi32, #tpu.memory_space<hbm>>
      %dma_start3A_58 = tpu.memref_squeeze %dma_start3A_57 : memref<1x80x128xi32, #tpu.memory_space<hbm>> -> memref<80x128xi32, #tpu.memory_space<hbm>>
      %dma_start3A_59 = arith.constant 0 : i32
      %dma_start3A_60 = arith.constant 0 : i32
      %dma_start3A_61 = tpu.memref_slice %dma_start3A_58[%dma_start3A_59, %dma_start3A_60] : memref<80x128xi32, #tpu.memory_space<hbm>> -> memref<40x128xi32, #tpu.memory_space<hbm>>
      tpu.enqueue_dma source(%dma_start3A_61 : memref<40x128xi32, #tpu.memory_space<hbm>>) target(%arg8 : memref<40x128xi32, #tpu.memory_space<vmem>>) target_semaphore(%run_scoped3A : memref<!tpu.dma_semaphore, #tpu.memory_space<semaphore_mem>>)
      %dma_wait3A = arith.constant 0 : i32
      %dma_wait3A_62 = arith.constant 0 : i32
      %dma_wait3A_63 = tpu.memref_slice %arg4[%add3A, %dma_wait3A, %dma_wait3A_62] : memref<32x80x128xi32, #tpu.memory_space<hbm>> -> memref<1x80x128xi32, #tpu.memory_space<hbm>>
      %dma_wait3A_64 = tpu.memref_squeeze %dma_wait3A_63 : memref<1x80x128xi32, #tpu.memory_space<hbm>> -> memref<80x128xi32, #tpu.memory_space<hbm>>
      %dma_wait3A_65 = arith.constant 0 : i32
      %dma_wait3A_66 = arith.constant 0 : i32
      %dma_wait3A_67 = tpu.memref_slice %dma_wait3A_64[%dma_wait3A_65, %dma_wait3A_66] : memref<80x128xi32, #tpu.memory_space<hbm>> -> memref<40x128xi32, #tpu.memory_space<hbm>>
      %dma_wait3A_68 = arith.constant 0 : i32
      %dma_wait3A_69 = arith.constant 0 : i32
      %dma_wait3A_70 = tpu.memref_slice %arg4[%add3A, %dma_wait3A_68, %dma_wait3A_69] : memref<32x80x128xi32, #tpu.memory_space<hbm>> -> memref<1x80x128xi32, #tpu.memory_space<hbm>>
      %dma_wait3A_71 = tpu.memref_squeeze %dma_wait3A_70 : memref<1x80x128xi32, #tpu.memory_space<hbm>> -> memref<80x128xi32, #tpu.memory_space<hbm>>
      %dma_wait3A_72 = arith.constant 0 : i32
      %dma_wait3A_73 = arith.constant 0 : i32
      %dma_wait3A_74 = tpu.memref_slice %dma_wait3A_71[%dma_wait3A_72, %dma_wait3A_73] : memref<80x128xi32, #tpu.memory_space<hbm>> -> memref<40x128xi32, #tpu.memory_space<hbm>>
      tpu.wait_dma2 semaphore(%run_scoped3A : memref<!tpu.dma_semaphore, #tpu.memory_space<semaphore_mem>>) src(%dma_wait3A_74 : memref<40x128xi32, #tpu.memory_space<hbm>>) dst(%arg8 : memref<40x128xi32, #tpu.memory_space<vmem>>)
      tpu.yield
    }) : () -> ()
    %dma_start3A = arith.constant 0 : i32
    %dma_start3A_5 = arith.constant 0 : i32
    %dma_start3A_6 = tpu.memref_slice %arg7[%dma_start3A, %dma_start3A_5] : memref<40x128xi32, #tpu.memory_space<vmem>> -> memref<1x128xi32, #tpu.memory_space<vmem>>
    %dma_start3A_7 = tpu.memref_squeeze %dma_start3A_6 : memref<1x128xi32, #tpu.memory_space<vmem>> -> memref<128xi32, #tpu.memory_space<vmem>>
    %dma_start3A_8 = arith.constant 0 : i32
    %dma_start3A_9 = arith.constant 0 : i32
    %dma_start3A_10 = tpu.memref_slice %arg2[%dma_start3A_8, %dma_start3A_9] : memref<10000x128xf32, #tpu.memory_space<hbm>> -> memref<10000x128xf32, #tpu.memory_space<hbm>>
    tpu.enqueue_indirect_dma source(%dma_start3A_10 : memref<10000x128xf32, #tpu.memory_space<hbm>>) target(%arg9 : memref<128x128xf32, #tpu.memory_space<vmem>>) offsets(%dma_start3A_7 : memref<128xi32, #tpu.memory_space<vmem>>) semaphore(%arg12 : memref<!tpu.dma_semaphore, #tpu.memory_space<semaphore_mem>>)
    %dma_start3A_11 = arith.constant 1 : i32
    %dma_start3A_12 = arith.constant 0 : i32
    %dma_start3A_13 = tpu.memref_slice %arg7[%dma_start3A_11, %dma_start3A_12] : memref<40x128xi32, #tpu.memory_space<vmem>> -> memref<1x128xi32, #tpu.memory_space<vmem>>
    %dma_start3A_14 = tpu.memref_squeeze %dma_start3A_13 : memref<1x128xi32, #tpu.memory_space<vmem>> -> memref<128xi32, #tpu.memory_space<vmem>>
    %dma_start3A_15 = arith.constant 0 : i32
    %dma_start3A_16 = arith.constant 0 : i32
    %dma_start3A_17 = tpu.memref_slice %arg2[%dma_start3A_15, %dma_start3A_16] : memref<10000x128xf32, #tpu.memory_space<hbm>> -> memref<10000x128xf32, #tpu.memory_space<hbm>>
    tpu.enqueue_indirect_dma source(%dma_start3A_17 : memref<10000x128xf32, #tpu.memory_space<hbm>>) target(%arg10 : memref<128x128xf32, #tpu.memory_space<vmem>>) offsets(%dma_start3A_14 : memref<128xi32, #tpu.memory_space<vmem>>) semaphore(%arg13 : memref<!tpu.dma_semaphore, #tpu.memory_space<semaphore_mem>>)
    %scan3A = arith.constant 0 : i32
    %scan3A_18 = arith.constant 0 : i32
    %scan3A_19 = arith.constant 20 : i32
    %scan3A_20 = arith.addi %scan3A_18, %scan3A_19 : i32
    %scan3A_21 = arith.constant 1 : i32
    scf.for %scan3A_48 = %scan3A_18 to %scan3A_20 step %scan3A_21  : i32 {
      %mul3A_49 = arith.constant 2 : i32
      %mul3A_50 = arith.muli %mul3A_49, %scan3A_48 : i32
      %dma_wait3A = arith.constant 0 : i32
      %dma_wait3A_51 = tpu.memref_slice %arg7[%mul3A_50, %dma_wait3A] : memref<40x128xi32, #tpu.memory_space<vmem>> -> memref<1x128xi32, #tpu.memory_space<vmem>>
      %dma_wait3A_52 = tpu.memref_squeeze %dma_wait3A_51 : memref<1x128xi32, #tpu.memory_space<vmem>> -> memref<128xi32, #tpu.memory_space<vmem>>
      %dma_wait3A_53 = arith.constant 0 : i32
      %dma_wait3A_54 = arith.constant 0 : i32
      %dma_wait3A_55 = tpu.memref_slice %arg2[%dma_wait3A_53, %dma_wait3A_54] : memref<10000x128xf32, #tpu.memory_space<hbm>> -> memref<10000x128xf32, #tpu.memory_space<hbm>>
      tpu.wait_indirect_dma semaphore(%arg12 : memref<!tpu.dma_semaphore, #tpu.memory_space<semaphore_mem>>) src(%dma_wait3A_55 : memref<10000x128xf32, #tpu.memory_space<hbm>>) dst(%arg9 : memref<128x128xf32, #tpu.memory_space<vmem>>)
      "tpu.region"() ({
        %run_scoped3A = tpu.sem_alloc : memref<!tpu.dma_semaphore, #tpu.memory_space<semaphore_mem>>
        %dma_start3A_77 = arith.constant 0 : i32
        %dma_start3A_78 = tpu.memref_slice %arg8[%mul3A_50, %dma_start3A_77] : memref<40x128xi32, #tpu.memory_space<vmem>> -> memref<1x128xi32, #tpu.memory_space<vmem>>
        %dma_start3A_79 = tpu.memref_squeeze %dma_start3A_78 : memref<1x128xi32, #tpu.memory_space<vmem>> -> memref<128xi32, #tpu.memory_space<vmem>>
        %dma_start3A_80 = arith.constant 0 : i32
        %dma_start3A_81 = arith.constant 0 : i32
        %dma_start3A_82 = tpu.memref_slice %arg11[%dma_start3A_80, %dma_start3A_81] : memref<10112x128xf32, #tpu.memory_space<vmem_shared>> -> memref<10112x128xf32, #tpu.memory_space<vmem_shared>>
        tpu.enqueue_indirect_dma source(%arg9 : memref<128x128xf32, #tpu.memory_space<vmem>>) target(%dma_start3A_82 : memref<10112x128xf32, #tpu.memory_space<vmem_shared>>) offsets(%dma_start3A_79 : memref<128xi32, #tpu.memory_space<vmem>>) semaphore(%run_scoped3A : memref<!tpu.dma_semaphore, #tpu.memory_space<semaphore_mem>>) {add = true}
        %dma_wait3A_83 = arith.constant 0 : i32
        %dma_wait3A_84 = tpu.memref_slice %arg8[%mul3A_50, %dma_wait3A_83] : memref<40x128xi32, #tpu.memory_space<vmem>> -> memref<1x128xi32, #tpu.memory_space<vmem>>
        %dma_wait3A_85 = tpu.memref_squeeze %dma_wait3A_84 : memref<1x128xi32, #tpu.memory_space<vmem>> -> memref<128xi32, #tpu.memory_space<vmem>>
        %dma_wait3A_86 = arith.constant 0 : i32
        %dma_wait3A_87 = arith.constant 0 : i32
        %dma_wait3A_88 = tpu.memref_slice %arg11[%dma_wait3A_86, %dma_wait3A_87] : memref<10112x128xf32, #tpu.memory_space<vmem_shared>> -> memref<10112x128xf32, #tpu.memory_space<vmem_shared>>
        tpu.wait_indirect_dma semaphore(%run_scoped3A : memref<!tpu.dma_semaphore, #tpu.memory_space<semaphore_mem>>) src(%arg9 : memref<128x128xf32, #tpu.memory_space<vmem>>) dst(%dma_wait3A_88 : memref<10112x128xf32, #tpu.memory_space<vmem_shared>>)
        tpu.yield
      }) : () -> ()
      %add3A_56 = arith.constant 2 : i32
      %add3A_57 = arith.addi %mul3A_50, %add3A_56 : i32
      %lt3A = arith.constant 40 : i32
      %lt3A_58 = arith.cmpi slt, %add3A_57, %lt3A : i32
      %convert_element_type3A = arith.extui %lt3A_58 : i1 to i32
      %cond3A = arith.constant 0 : i32
      %cond3A_59 = arith.cmpi ne, %convert_element_type3A, %cond3A : i32
      scf.if %cond3A_59 {
        %add3A_77 = arith.constant 2 : i32
        %add3A_78 = arith.addi %mul3A_50, %add3A_77 : i32
        %dma_start3A_79 = arith.constant 0 : i32
        %dma_start3A_80 = tpu.memref_slice %arg7[%add3A_78, %dma_start3A_79] : memref<40x128xi32, #tpu.memory_space<vmem>> -> memref<1x128xi32, #tpu.memory_space<vmem>>
        %dma_start3A_81 = tpu.memref_squeeze %dma_start3A_80 : memref<1x128xi32, #tpu.memory_space<vmem>> -> memref<128xi32, #tpu.memory_space<vmem>>
        %dma_start3A_82 = arith.constant 0 : i32
        %dma_start3A_83 = arith.constant 0 : i32
        %dma_start3A_84 = tpu.memref_slice %arg2[%dma_start3A_82, %dma_start3A_83] : memref<10000x128xf32, #tpu.memory_space<hbm>> -> memref<10000x128xf32, #tpu.memory_space<hbm>>
        tpu.enqueue_indirect_dma source(%dma_start3A_84 : memref<10000x128xf32, #tpu.memory_space<hbm>>) target(%arg9 : memref<128x128xf32, #tpu.memory_space<vmem>>) offsets(%dma_start3A_81 : memref<128xi32, #tpu.memory_space<vmem>>) semaphore(%arg12 : memref<!tpu.dma_semaphore, #tpu.memory_space<semaphore_mem>>)
      } else {
      }
      %mul3A_60 = arith.constant 2 : i32
      %mul3A_61 = arith.muli %mul3A_60, %scan3A_48 : i32
      %add3A_62 = arith.constant 1 : i32
      %add3A_63 = arith.addi %mul3A_61, %add3A_62 : i32
      %dma_wait3A_64 = arith.constant 0 : i32
      %dma_wait3A_65 = tpu.memref_slice %arg7[%add3A_63, %dma_wait3A_64] : memref<40x128xi32, #tpu.memory_space<vmem>> -> memref<1x128xi32, #tpu.memory_space<vmem>>
      %dma_wait3A_66 = tpu.memref_squeeze %dma_wait3A_65 : memref<1x128xi32, #tpu.memory_space<vmem>> -> memref<128xi32, #tpu.memory_space<vmem>>
      %dma_wait3A_67 = arith.constant 0 : i32
      %dma_wait3A_68 = arith.constant 0 : i32
      %dma_wait3A_69 = tpu.memref_slice %arg2[%dma_wait3A_67, %dma_wait3A_68] : memref<10000x128xf32, #tpu.memory_space<hbm>> -> memref<10000x128xf32, #tpu.memory_space<hbm>>
      tpu.wait_indirect_dma semaphore(%arg13 : memref<!tpu.dma_semaphore, #tpu.memory_space<semaphore_mem>>) src(%dma_wait3A_69 : memref<10000x128xf32, #tpu.memory_space<hbm>>) dst(%arg10 : memref<128x128xf32, #tpu.memory_space<vmem>>)
      "tpu.region"() ({
        %run_scoped3A = tpu.sem_alloc : memref<!tpu.dma_semaphore, #tpu.memory_space<semaphore_mem>>
        %dma_start3A_77 = arith.constant 0 : i32
        %dma_start3A_78 = tpu.memref_slice %arg8[%add3A_63, %dma_start3A_77] : memref<40x128xi32, #tpu.memory_space<vmem>> -> memref<1x128xi32, #tpu.memory_space<vmem>>
        %dma_start3A_79 = tpu.memref_squeeze %dma_start3A_78 : memref<1x128xi32, #tpu.memory_space<vmem>> -> memref<128xi32, #tpu.memory_space<vmem>>
        %dma_start3A_80 = arith.constant 0 : i32
        %dma_start3A_81 = arith.constant 0 : i32
        %dma_start3A_82 = tpu.memref_slice %arg11[%dma_start3A_80, %dma_start3A_81] : memref<10112x128xf32, #tpu.memory_space<vmem_shared>> -> memref<10112x128xf32, #tpu.memory_space<vmem_shared>>
        tpu.enqueue_indirect_dma source(%arg10 : memref<128x128xf32, #tpu.memory_space<vmem>>) target(%dma_start3A_82 : memref<10112x128xf32, #tpu.memory_space<vmem_shared>>) offsets(%dma_start3A_79 : memref<128xi32, #tpu.memory_space<vmem>>) semaphore(%run_scoped3A : memref<!tpu.dma_semaphore, #tpu.memory_space<semaphore_mem>>) {add = true}
        %dma_wait3A_83 = arith.constant 0 : i32
        %dma_wait3A_84 = tpu.memref_slice %arg8[%add3A_63, %dma_wait3A_83] : memref<40x128xi32, #tpu.memory_space<vmem>> -> memref<1x128xi32, #tpu.memory_space<vmem>>
        %dma_wait3A_85 = tpu.memref_squeeze %dma_wait3A_84 : memref<1x128xi32, #tpu.memory_space<vmem>> -> memref<128xi32, #tpu.memory_space<vmem>>
        %dma_wait3A_86 = arith.constant 0 : i32
        %dma_wait3A_87 = arith.constant 0 : i32
        %dma_wait3A_88 = tpu.memref_slice %arg11[%dma_wait3A_86, %dma_wait3A_87] : memref<10112x128xf32, #tpu.memory_space<vmem_shared>> -> memref<10112x128xf32, #tpu.memory_space<vmem_shared>>
        tpu.wait_indirect_dma semaphore(%run_scoped3A : memref<!tpu.dma_semaphore, #tpu.memory_space<semaphore_mem>>) src(%arg10 : memref<128x128xf32, #tpu.memory_space<vmem>>) dst(%dma_wait3A_88 : memref<10112x128xf32, #tpu.memory_space<vmem_shared>>)
        tpu.yield
      }) : () -> ()
      %add3A_70 = arith.constant 2 : i32
      %add3A_71 = arith.addi %add3A_63, %add3A_70 : i32
      %lt3A_72 = arith.constant 40 : i32
      %lt3A_73 = arith.cmpi slt, %add3A_71, %lt3A_72 : i32
      %convert_element_type3A_74 = arith.extui %lt3A_73 : i1 to i32
      %cond3A_75 = arith.constant 0 : i32
      %cond3A_76 = arith.cmpi ne, %convert_element_type3A_74, %cond3A_75 : i32
      scf.if %cond3A_76 {
        %add3A_77 = arith.constant 2 : i32
        %add3A_78 = arith.addi %add3A_63, %add3A_77 : i32
        %dma_start3A_79 = arith.constant 0 : i32
        %dma_start3A_80 = tpu.memref_slice %arg7[%add3A_78, %dma_start3A_79] : memref<40x128xi32, #tpu.memory_space<vmem>> -> memref<1x128xi32, #tpu.memory_space<vmem>>
        %dma_start3A_81 = tpu.memref_squeeze %dma_start3A_80 : memref<1x128xi32, #tpu.memory_space<vmem>> -> memref<128xi32, #tpu.memory_space<vmem>>
        %dma_start3A_82 = arith.constant 0 : i32
        %dma_start3A_83 = arith.constant 0 : i32
        %dma_start3A_84 = tpu.memref_slice %arg2[%dma_start3A_82, %dma_start3A_83] : memref<10000x128xf32, #tpu.memory_space<hbm>> -> memref<10000x128xf32, #tpu.memory_space<hbm>>
        tpu.enqueue_indirect_dma source(%dma_start3A_84 : memref<10000x128xf32, #tpu.memory_space<hbm>>) target(%arg10 : memref<128x128xf32, #tpu.memory_space<vmem>>) offsets(%dma_start3A_81 : memref<128xi32, #tpu.memory_space<vmem>>) semaphore(%arg13 : memref<!tpu.dma_semaphore, #tpu.memory_space<semaphore_mem>>)
      } else {
      }
    }
    %scan3A_22 = arith.constant 20 : i32
    "tpu.region"() ({
      %run_scoped3A = tpu.sem_alloc : memref<!tpu.dma_semaphore, #tpu.memory_space<semaphore_mem>>
      %dma_start3A_48 = arith.constant 0 : i32
      %dma_start3A_49 = arith.constant 0 : i32
      %dma_start3A_50 = tpu.memref_slice %arg3[%add3A, %dma_start3A_48, %dma_start3A_49] : memref<32x80x128xi32, #tpu.memory_space<hbm>> -> memref<1x80x128xi32, #tpu.memory_space<hbm>>
      %dma_start3A_51 = tpu.memref_squeeze %dma_start3A_50 : memref<1x80x128xi32, #tpu.memory_space<hbm>> -> memref<80x128xi32, #tpu.memory_space<hbm>>
      %dma_start3A_52 = arith.constant 40 : i32
      %dma_start3A_53 = arith.constant 0 : i32
      %dma_start3A_54 = tpu.memref_slice %dma_start3A_51[%dma_start3A_52, %dma_start3A_53] : memref<80x128xi32, #tpu.memory_space<hbm>> -> memref<40x128xi32, #tpu.memory_space<hbm>>
      %dma_start3A_55 = arith.constant 0 : i32
      %dma_start3A_56 = arith.constant 0 : i32
      %dma_start3A_57 = tpu.memref_slice %arg3[%add3A, %dma_start3A_55, %dma_start3A_56] : memref<32x80x128xi32, #tpu.memory_space<hbm>> -> memref<1x80x128xi32, #tpu.memory_space<hbm>>
      %dma_start3A_58 = tpu.memref_squeeze %dma_start3A_57 : memref<1x80x128xi32, #tpu.memory_space<hbm>> -> memref<80x128xi32, #tpu.memory_space<hbm>>
      %dma_start3A_59 = arith.constant 40 : i32
      %dma_start3A_60 = arith.constant 0 : i32
      %dma_start3A_61 = tpu.memref_slice %dma_start3A_58[%dma_start3A_59, %dma_start3A_60] : memref<80x128xi32, #tpu.memory_space<hbm>> -> memref<40x128xi32, #tpu.memory_space<hbm>>
      tpu.enqueue_dma source(%dma_start3A_61 : memref<40x128xi32, #tpu.memory_space<hbm>>) target(%arg7 : memref<40x128xi32, #tpu.memory_space<vmem>>) target_semaphore(%run_scoped3A : memref<!tpu.dma_semaphore, #tpu.memory_space<semaphore_mem>>)
      %dma_wait3A = arith.constant 0 : i32
      %dma_wait3A_62 = arith.constant 0 : i32
      %dma_wait3A_63 = tpu.memref_slice %arg3[%add3A, %dma_wait3A, %dma_wait3A_62] : memref<32x80x128xi32, #tpu.memory_space<hbm>> -> memref<1x80x128xi32, #tpu.memory_space<hbm>>
      %dma_wait3A_64 = tpu.memref_squeeze %dma_wait3A_63 : memref<1x80x128xi32, #tpu.memory_space<hbm>> -> memref<80x128xi32, #tpu.memory_space<hbm>>
      %dma_wait3A_65 = arith.constant 40 : i32
      %dma_wait3A_66 = arith.constant 0 : i32
      %dma_wait3A_67 = tpu.memref_slice %dma_wait3A_64[%dma_wait3A_65, %dma_wait3A_66] : memref<80x128xi32, #tpu.memory_space<hbm>> -> memref<40x128xi32, #tpu.memory_space<hbm>>
      %dma_wait3A_68 = arith.constant 0 : i32
      %dma_wait3A_69 = arith.constant 0 : i32
      %dma_wait3A_70 = tpu.memref_slice %arg3[%add3A, %dma_wait3A_68, %dma_wait3A_69] : memref<32x80x128xi32, #tpu.memory_space<hbm>> -> memref<1x80x128xi32, #tpu.memory_space<hbm>>
      %dma_wait3A_71 = tpu.memref_squeeze %dma_wait3A_70 : memref<1x80x128xi32, #tpu.memory_space<hbm>> -> memref<80x128xi32, #tpu.memory_space<hbm>>
      %dma_wait3A_72 = arith.constant 40 : i32
      %dma_wait3A_73 = arith.constant 0 : i32
      %dma_wait3A_74 = tpu.memref_slice %dma_wait3A_71[%dma_wait3A_72, %dma_wait3A_73] : memref<80x128xi32, #tpu.memory_space<hbm>> -> memref<40x128xi32, #tpu.memory_space<hbm>>
      tpu.wait_dma2 semaphore(%run_scoped3A : memref<!tpu.dma_semaphore, #tpu.memory_space<semaphore_mem>>) src(%dma_wait3A_74 : memref<40x128xi32, #tpu.memory_space<hbm>>) dst(%arg7 : memref<40x128xi32, #tpu.memory_space<vmem>>)
      tpu.yield
    }) : () -> ()
    "tpu.region"() ({
      %run_scoped3A = tpu.sem_alloc : memref<!tpu.dma_semaphore, #tpu.memory_space<semaphore_mem>>
      %dma_start3A_48 = arith.constant 0 : i32
      %dma_start3A_49 = arith.constant 0 : i32
      %dma_start3A_50 = tpu.memref_slice %arg4[%add3A, %dma_start3A_48, %dma_start3A_49] : memref<32x80x128xi32, #tpu.memory_space<hbm>> -> memref<1x80x128xi32, #tpu.memory_space<hbm>>
      %dma_start3A_51 = tpu.memref_squeeze %dma_start3A_50 : memref<1x80x128xi32, #tpu.memory_space<hbm>> -> memref<80x128xi32, #tpu.memory_space<hbm>>
      %dma_start3A_52 = arith.constant 40 : i32
      %dma_start3A_53 = arith.constant 0 : i32
      %dma_start3A_54 = tpu.memref_slice %dma_start3A_51[%dma_start3A_52, %dma_start3A_53] : memref<80x128xi32, #tpu.memory_space<hbm>> -> memref<40x128xi32, #tpu.memory_space<hbm>>
      %dma_start3A_55 = arith.constant 0 : i32
      %dma_start3A_56 = arith.constant 0 : i32
      %dma_start3A_57 = tpu.memref_slice %arg4[%add3A, %dma_start3A_55, %dma_start3A_56] : memref<32x80x128xi32, #tpu.memory_space<hbm>> -> memref<1x80x128xi32, #tpu.memory_space<hbm>>
      %dma_start3A_58 = tpu.memref_squeeze %dma_start3A_57 : memref<1x80x128xi32, #tpu.memory_space<hbm>> -> memref<80x128xi32, #tpu.memory_space<hbm>>
      %dma_start3A_59 = arith.constant 40 : i32
      %dma_start3A_60 = arith.constant 0 : i32
      %dma_start3A_61 = tpu.memref_slice %dma_start3A_58[%dma_start3A_59, %dma_start3A_60] : memref<80x128xi32, #tpu.memory_space<hbm>> -> memref<40x128xi32, #tpu.memory_space<hbm>>
      tpu.enqueue_dma source(%dma_start3A_61 : memref<40x128xi32, #tpu.memory_space<hbm>>) target(%arg8 : memref<40x128xi32, #tpu.memory_space<vmem>>) target_semaphore(%run_scoped3A : memref<!tpu.dma_semaphore, #tpu.memory_space<semaphore_mem>>)
      %dma_wait3A = arith.constant 0 : i32
      %dma_wait3A_62 = arith.constant 0 : i32
      %dma_wait3A_63 = tpu.memref_slice %arg4[%add3A, %dma_wait3A, %dma_wait3A_62] : memref<32x80x128xi32, #tpu.memory_space<hbm>> -> memref<1x80x128xi32, #tpu.memory_space<hbm>>
      %dma_wait3A_64 = tpu.memref_squeeze %dma_wait3A_63 : memref<1x80x128xi32, #tpu.memory_space<hbm>> -> memref<80x128xi32, #tpu.memory_space<hbm>>
      %dma_wait3A_65 = arith.constant 40 : i32
      %dma_wait3A_66 = arith.constant 0 : i32
      %dma_wait3A_67 = tpu.memref_slice %dma_wait3A_64[%dma_wait3A_65, %dma_wait3A_66] : memref<80x128xi32, #tpu.memory_space<hbm>> -> memref<40x128xi32, #tpu.memory_space<hbm>>
      %dma_wait3A_68 = arith.constant 0 : i32
      %dma_wait3A_69 = arith.constant 0 : i32
      %dma_wait3A_70 = tpu.memref_slice %arg4[%add3A, %dma_wait3A_68, %dma_wait3A_69] : memref<32x80x128xi32, #tpu.memory_space<hbm>> -> memref<1x80x128xi32, #tpu.memory_space<hbm>>
      %dma_wait3A_71 = tpu.memref_squeeze %dma_wait3A_70 : memref<1x80x128xi32, #tpu.memory_space<hbm>> -> memref<80x128xi32, #tpu.memory_space<hbm>>
      %dma_wait3A_72 = arith.constant 40 : i32
      %dma_wait3A_73 = arith.constant 0 : i32
      %dma_wait3A_74 = tpu.memref_slice %dma_wait3A_71[%dma_wait3A_72, %dma_wait3A_73] : memref<80x128xi32, #tpu.memory_space<hbm>> -> memref<40x128xi32, #tpu.memory_space<hbm>>
      tpu.wait_dma2 semaphore(%run_scoped3A : memref<!tpu.dma_semaphore, #tpu.memory_space<semaphore_mem>>) src(%dma_wait3A_74 : memref<40x128xi32, #tpu.memory_space<hbm>>) dst(%arg8 : memref<40x128xi32, #tpu.memory_space<vmem>>)
      tpu.yield
    }) : () -> ()
    %dma_start3A_23 = arith.constant 0 : i32
    %dma_start3A_24 = arith.constant 0 : i32
    %dma_start3A_25 = tpu.memref_slice %arg7[%dma_start3A_23, %dma_start3A_24] : memref<40x128xi32, #tpu.memory_space<vmem>> -> memref<1x128xi32, #tpu.memory_space<vmem>>
    %dma_start3A_26 = tpu.memref_squeeze %dma_start3A_25 : memref<1x128xi32, #tpu.memory_space<vmem>> -> memref<128xi32, #tpu.memory_space<vmem>>
    %dma_start3A_27 = arith.constant 0 : i32
    %dma_start3A_28 = arith.constant 0 : i32
    %dma_start3A_29 = tpu.memref_slice %arg2[%dma_start3A_27, %dma_start3A_28] : memref<10000x128xf32, #tpu.memory_space<hbm>> -> memref<10000x128xf32, #tpu.memory_space<hbm>>
    tpu.enqueue_indirect_dma source(%dma_start3A_29 : memref<10000x128xf32, #tpu.memory_space<hbm>>) target(%arg9 : memref<128x128xf32, #tpu.memory_space<vmem>>) offsets(%dma_start3A_26 : memref<128xi32, #tpu.memory_space<vmem>>) semaphore(%arg12 : memref<!tpu.dma_semaphore, #tpu.memory_space<semaphore_mem>>)
    %dma_start3A_30 = arith.constant 1 : i32
    %dma_start3A_31 = arith.constant 0 : i32
    %dma_start3A_32 = tpu.memref_slice %arg7[%dma_start3A_30, %dma_start3A_31] : memref<40x128xi32, #tpu.memory_space<vmem>> -> memref<1x128xi32, #tpu.memory_space<vmem>>
    %dma_start3A_33 = tpu.memref_squeeze %dma_start3A_32 : memref<1x128xi32, #tpu.memory_space<vmem>> -> memref<128xi32, #tpu.memory_space<vmem>>
    %dma_start3A_34 = arith.constant 0 : i32
    %dma_start3A_35 = arith.constant 0 : i32
    %dma_start3A_36 = tpu.memref_slice %arg2[%dma_start3A_34, %dma_start3A_35] : memref<10000x128xf32, #tpu.memory_space<hbm>> -> memref<10000x128xf32, #tpu.memory_space<hbm>>
    tpu.enqueue_indirect_dma source(%dma_start3A_36 : memref<10000x128xf32, #tpu.memory_space<hbm>>) target(%arg10 : memref<128x128xf32, #tpu.memory_space<vmem>>) offsets(%dma_start3A_33 : memref<128xi32, #tpu.memory_space<vmem>>) semaphore(%arg13 : memref<!tpu.dma_semaphore, #tpu.memory_space<semaphore_mem>>)
    %scan3A_37 = arith.constant 0 : i32
    %scan3A_38 = arith.constant 0 : i32
    %scan3A_39 = arith.constant 20 : i32
    %scan3A_40 = arith.addi %scan3A_38, %scan3A_39 : i32
    %scan3A_41 = arith.constant 1 : i32
    scf.for %scan3A_48 = %scan3A_38 to %scan3A_40 step %scan3A_41  : i32 {
      %mul3A_49 = arith.constant 2 : i32
      %mul3A_50 = arith.muli %mul3A_49, %scan3A_48 : i32
      %dma_wait3A = arith.constant 0 : i32
      %dma_wait3A_51 = tpu.memref_slice %arg7[%mul3A_50, %dma_wait3A] : memref<40x128xi32, #tpu.memory_space<vmem>> -> memref<1x128xi32, #tpu.memory_space<vmem>>
      %dma_wait3A_52 = tpu.memref_squeeze %dma_wait3A_51 : memref<1x128xi32, #tpu.memory_space<vmem>> -> memref<128xi32, #tpu.memory_space<vmem>>
      %dma_wait3A_53 = arith.constant 0 : i32
      %dma_wait3A_54 = arith.constant 0 : i32
      %dma_wait3A_55 = tpu.memref_slice %arg2[%dma_wait3A_53, %dma_wait3A_54] : memref<10000x128xf32, #tpu.memory_space<hbm>> -> memref<10000x128xf32, #tpu.memory_space<hbm>>
      tpu.wait_indirect_dma semaphore(%arg12 : memref<!tpu.dma_semaphore, #tpu.memory_space<semaphore_mem>>) src(%dma_wait3A_55 : memref<10000x128xf32, #tpu.memory_space<hbm>>) dst(%arg9 : memref<128x128xf32, #tpu.memory_space<vmem>>)
      "tpu.region"() ({
        %run_scoped3A = tpu.sem_alloc : memref<!tpu.dma_semaphore, #tpu.memory_space<semaphore_mem>>
        %dma_start3A_77 = arith.constant 0 : i32
        %dma_start3A_78 = tpu.memref_slice %arg8[%mul3A_50, %dma_start3A_77] : memref<40x128xi32, #tpu.memory_space<vmem>> -> memref<1x128xi32, #tpu.memory_space<vmem>>
        %dma_start3A_79 = tpu.memref_squeeze %dma_start3A_78 : memref<1x128xi32, #tpu.memory_space<vmem>> -> memref<128xi32, #tpu.memory_space<vmem>>
        %dma_start3A_80 = arith.constant 0 : i32
        %dma_start3A_81 = arith.constant 0 : i32
        %dma_start3A_82 = tpu.memref_slice %arg11[%dma_start3A_80, %dma_start3A_81] : memref<10112x128xf32, #tpu.memory_space<vmem_shared>> -> memref<10112x128xf32, #tpu.memory_space<vmem_shared>>
        tpu.enqueue_indirect_dma source(%arg9 : memref<128x128xf32, #tpu.memory_space<vmem>>) target(%dma_start3A_82 : memref<10112x128xf32, #tpu.memory_space<vmem_shared>>) offsets(%dma_start3A_79 : memref<128xi32, #tpu.memory_space<vmem>>) semaphore(%run_scoped3A : memref<!tpu.dma_semaphore, #tpu.memory_space<semaphore_mem>>) {add = true}
        %dma_wait3A_83 = arith.constant 0 : i32
        %dma_wait3A_84 = tpu.memref_slice %arg8[%mul3A_50, %dma_wait3A_83] : memref<40x128xi32, #tpu.memory_space<vmem>> -> memref<1x128xi32, #tpu.memory_space<vmem>>
        %dma_wait3A_85 = tpu.memref_squeeze %dma_wait3A_84 : memref<1x128xi32, #tpu.memory_space<vmem>> -> memref<128xi32, #tpu.memory_space<vmem>>
        %dma_wait3A_86 = arith.constant 0 : i32
        %dma_wait3A_87 = arith.constant 0 : i32
        %dma_wait3A_88 = tpu.memref_slice %arg11[%dma_wait3A_86, %dma_wait3A_87] : memref<10112x128xf32, #tpu.memory_space<vmem_shared>> -> memref<10112x128xf32, #tpu.memory_space<vmem_shared>>
        tpu.wait_indirect_dma semaphore(%run_scoped3A : memref<!tpu.dma_semaphore, #tpu.memory_space<semaphore_mem>>) src(%arg9 : memref<128x128xf32, #tpu.memory_space<vmem>>) dst(%dma_wait3A_88 : memref<10112x128xf32, #tpu.memory_space<vmem_shared>>)
        tpu.yield
      }) : () -> ()
      %add3A_56 = arith.constant 2 : i32
      %add3A_57 = arith.addi %mul3A_50, %add3A_56 : i32
      %lt3A = arith.constant 40 : i32
      %lt3A_58 = arith.cmpi slt, %add3A_57, %lt3A : i32
      %convert_element_type3A = arith.extui %lt3A_58 : i1 to i32
      %cond3A = arith.constant 0 : i32
      %cond3A_59 = arith.cmpi ne, %convert_element_type3A, %cond3A : i32
      scf.if %cond3A_59 {
        %add3A_77 = arith.constant 2 : i32
        %add3A_78 = arith.addi %mul3A_50, %add3A_77 : i32
        %dma_start3A_79 = arith.constant 0 : i32
        %dma_start3A_80 = tpu.memref_slice %arg7[%add3A_78, %dma_start3A_79] : memref<40x128xi32, #tpu.memory_space<vmem>> -> memref<1x128xi32, #tpu.memory_space<vmem>>
        %dma_start3A_81 = tpu.memref_squeeze %dma_start3A_80 : memref<1x128xi32, #tpu.memory_space<vmem>> -> memref<128xi32, #tpu.memory_space<vmem>>
        %dma_start3A_82 = arith.constant 0 : i32
        %dma_start3A_83 = arith.constant 0 : i32
        %dma_start3A_84 = tpu.memref_slice %arg2[%dma_start3A_82, %dma_start3A_83] : memref<10000x128xf32, #tpu.memory_space<hbm>> -> memref<10000x128xf32, #tpu.memory_space<hbm>>
        tpu.enqueue_indirect_dma source(%dma_start3A_84 : memref<10000x128xf32, #tpu.memory_space<hbm>>) target(%arg9 : memref<128x128xf32, #tpu.memory_space<vmem>>) offsets(%dma_start3A_81 : memref<128xi32, #tpu.memory_space<vmem>>) semaphore(%arg12 : memref<!tpu.dma_semaphore, #tpu.memory_space<semaphore_mem>>)
      } else {
      }
      %mul3A_60 = arith.constant 2 : i32
      %mul3A_61 = arith.muli %mul3A_60, %scan3A_48 : i32
      %add3A_62 = arith.constant 1 : i32
      %add3A_63 = arith.addi %mul3A_61, %add3A_62 : i32
      %dma_wait3A_64 = arith.constant 0 : i32
      %dma_wait3A_65 = tpu.memref_slice %arg7[%add3A_63, %dma_wait3A_64] : memref<40x128xi32, #tpu.memory_space<vmem>> -> memref<1x128xi32, #tpu.memory_space<vmem>>
      %dma_wait3A_66 = tpu.memref_squeeze %dma_wait3A_65 : memref<1x128xi32, #tpu.memory_space<vmem>> -> memref<128xi32, #tpu.memory_space<vmem>>
      %dma_wait3A_67 = arith.constant 0 : i32
      %dma_wait3A_68 = arith.constant 0 : i32
      %dma_wait3A_69 = tpu.memref_slice %arg2[%dma_wait3A_67, %dma_wait3A_68] : memref<10000x128xf32, #tpu.memory_space<hbm>> -> memref<10000x128xf32, #tpu.memory_space<hbm>>
      tpu.wait_indirect_dma semaphore(%arg13 : memref<!tpu.dma_semaphore, #tpu.memory_space<semaphore_mem>>) src(%dma_wait3A_69 : memref<10000x128xf32, #tpu.memory_space<hbm>>) dst(%arg10 : memref<128x128xf32, #tpu.memory_space<vmem>>)
      "tpu.region"() ({
        %run_scoped3A = tpu.sem_alloc : memref<!tpu.dma_semaphore, #tpu.memory_space<semaphore_mem>>
        %dma_start3A_77 = arith.constant 0 : i32
        %dma_start3A_78 = tpu.memref_slice %arg8[%add3A_63, %dma_start3A_77] : memref<40x128xi32, #tpu.memory_space<vmem>> -> memref<1x128xi32, #tpu.memory_space<vmem>>
        %dma_start3A_79 = tpu.memref_squeeze %dma_start3A_78 : memref<1x128xi32, #tpu.memory_space<vmem>> -> memref<128xi32, #tpu.memory_space<vmem>>
        %dma_start3A_80 = arith.constant 0 : i32
        %dma_start3A_81 = arith.constant 0 : i32
        %dma_start3A_82 = tpu.memref_slice %arg11[%dma_start3A_80, %dma_start3A_81] : memref<10112x128xf32, #tpu.memory_space<vmem_shared>> -> memref<10112x128xf32, #tpu.memory_space<vmem_shared>>
        tpu.enqueue_indirect_dma source(%arg10 : memref<128x128xf32, #tpu.memory_space<vmem>>) target(%dma_start3A_82 : memref<10112x128xf32, #tpu.memory_space<vmem_shared>>) offsets(%dma_start3A_79 : memref<128xi32, #tpu.memory_space<vmem>>) semaphore(%run_scoped3A : memref<!tpu.dma_semaphore, #tpu.memory_space<semaphore_mem>>) {add = true}
        %dma_wait3A_83 = arith.constant 0 : i32
        %dma_wait3A_84 = tpu.memref_slice %arg8[%add3A_63, %dma_wait3A_83] : memref<40x128xi32, #tpu.memory_space<vmem>> -> memref<1x128xi32, #tpu.memory_space<vmem>>
        %dma_wait3A_85 = tpu.memref_squeeze %dma_wait3A_84 : memref<1x128xi32, #tpu.memory_space<vmem>> -> memref<128xi32, #tpu.memory_space<vmem>>
        %dma_wait3A_86 = arith.constant 0 : i32
        %dma_wait3A_87 = arith.constant 0 : i32
        %dma_wait3A_88 = tpu.memref_slice %arg11[%dma_wait3A_86, %dma_wait3A_87] : memref<10112x128xf32, #tpu.memory_space<vmem_shared>> -> memref<10112x128xf32, #tpu.memory_space<vmem_shared>>
        tpu.wait_indirect_dma semaphore(%run_scoped3A : memref<!tpu.dma_semaphore, #tpu.memory_space<semaphore_mem>>) src(%arg10 : memref<128x128xf32, #tpu.memory_space<vmem>>) dst(%dma_wait3A_88 : memref<10112x128xf32, #tpu.memory_space<vmem_shared>>)
        tpu.yield
      }) : () -> ()
      %add3A_70 = arith.constant 2 : i32
      %add3A_71 = arith.addi %add3A_63, %add3A_70 : i32
      %lt3A_72 = arith.constant 40 : i32
      %lt3A_73 = arith.cmpi slt, %add3A_71, %lt3A_72 : i32
      %convert_element_type3A_74 = arith.extui %lt3A_73 : i1 to i32
      %cond3A_75 = arith.constant 0 : i32
      %cond3A_76 = arith.cmpi ne, %convert_element_type3A_74, %cond3A_75 : i32
      scf.if %cond3A_76 {
        %add3A_77 = arith.constant 2 : i32
        %add3A_78 = arith.addi %add3A_63, %add3A_77 : i32
        %dma_start3A_79 = arith.constant 0 : i32
        %dma_start3A_80 = tpu.memref_slice %arg7[%add3A_78, %dma_start3A_79] : memref<40x128xi32, #tpu.memory_space<vmem>> -> memref<1x128xi32, #tpu.memory_space<vmem>>
        %dma_start3A_81 = tpu.memref_squeeze %dma_start3A_80 : memref<1x128xi32, #tpu.memory_space<vmem>> -> memref<128xi32, #tpu.memory_space<vmem>>
        %dma_start3A_82 = arith.constant 0 : i32
        %dma_start3A_83 = arith.constant 0 : i32
        %dma_start3A_84 = tpu.memref_slice %arg2[%dma_start3A_82, %dma_start3A_83] : memref<10000x128xf32, #tpu.memory_space<hbm>> -> memref<10000x128xf32, #tpu.memory_space<hbm>>
        tpu.enqueue_indirect_dma source(%dma_start3A_84 : memref<10000x128xf32, #tpu.memory_space<hbm>>) target(%arg10 : memref<128x128xf32, #tpu.memory_space<vmem>>) offsets(%dma_start3A_81 : memref<128xi32, #tpu.memory_space<vmem>>) semaphore(%arg13 : memref<!tpu.dma_semaphore, #tpu.memory_space<semaphore_mem>>)
      } else {
      }
    }
    %scan3A_42 = arith.constant 20 : i32
    %barrier3A_43 = arith.constant 0 : index
    tpu.barrier barrier_id(%barrier3A_43)
    %mul3A_44 = arith.constant 632 : i32
    %mul3A_45 = arith.muli %arg1, %mul3A_44 : i32
    %mul3A_46 = arith.constant 632 : i32
    %mul3A_47 = arith.muli %arg1, %mul3A_46 : i32
    "tpu.region"() ({
      %run_scoped3A = tpu.sem_alloc : memref<!tpu.dma_semaphore, #tpu.memory_space<semaphore_mem>>
      %dma_start3A_48 = arith.constant 0 : i32
      %dma_start3A_49 = tpu.memref_slice %arg6[%arg0, %mul3A_47, %dma_start3A_48] : memref<2x10112x128xf32, #tpu.memory_space<hbm>> -> memref<1x632x128xf32, #tpu.memory_space<hbm>>
      %dma_start3A_50 = tpu.memref_squeeze %dma_start3A_49 : memref<1x632x128xf32, #tpu.memory_space<hbm>> -> memref<632x128xf32, #tpu.memory_space<hbm>>
      %dma_start3A_51 = arith.constant 0 : i32
      %dma_start3A_52 = tpu.memref_slice %arg11[%mul3A_45, %dma_start3A_51] : memref<10112x128xf32, #tpu.memory_space<vmem_shared>> -> memref<632x128xf32, #tpu.memory_space<vmem_shared>>
      tpu.enqueue_dma source(%dma_start3A_52 : memref<632x128xf32, #tpu.memory_space<vmem_shared>>) target(%dma_start3A_50 : memref<632x128xf32, #tpu.memory_space<hbm>>) target_semaphore(%run_scoped3A : memref<!tpu.dma_semaphore, #tpu.memory_space<semaphore_mem>>)
      %dma_wait3A = arith.constant 0 : i32
      %dma_wait3A_53 = tpu.memref_slice %arg6[%arg0, %mul3A_47, %dma_wait3A] : memref<2x10112x128xf32, #tpu.memory_space<hbm>> -> memref<1x632x128xf32, #tpu.memory_space<hbm>>
      %dma_wait3A_54 = tpu.memref_squeeze %dma_wait3A_53 : memref<1x632x128xf32, #tpu.memory_space<hbm>> -> memref<632x128xf32, #tpu.memory_space<hbm>>
      %dma_wait3A_55 = arith.constant 0 : i32
      %dma_wait3A_56 = tpu.memref_slice %arg11[%mul3A_45, %dma_wait3A_55] : memref<10112x128xf32, #tpu.memory_space<vmem_shared>> -> memref<632x128xf32, #tpu.memory_space<vmem_shared>>
      tpu.wait_dma2 semaphore(%run_scoped3A : memref<!tpu.dma_semaphore, #tpu.memory_space<semaphore_mem>>) src(%dma_wait3A_56 : memref<632x128xf32, #tpu.memory_space<vmem_shared>>) dst(%dma_wait3A_54 : memref<632x128xf32, #tpu.memory_space<hbm>>)
      tpu.yield
    }) : () -> ()
    return
  }
}

module attributes {stable_mosaic.version = 14 : i64} {
  func.func @body(%arg0: memref<10000x128xf32, #tpu.memory_space<vmem>>, %arg1: memref<128x128xf32, #tpu.memory_space<vmem>>, %arg2: memref<2x10112x16xf32, #tpu.memory_space<vmem>>, %arg3: memref<10000x128xf32, #tpu.memory_space<vmem>>, %arg4: memref<1x10000xf32, #tpu.memory_space<vmem>>) attributes {dimension_semantics = [], scalar_prefetch = 0 : i64, scratch_operands = 0 : i64, tpu.core_type = #tpu.core_type<tc>} {
    %get3A = arith.constant 0 : index
    %get3A_0 = arith.constant 0 : index
    %get3A_1 = arith.constant 0 : index
    %get3A_2 = vector.load %arg2[%get3A, %get3A_0, %get3A_1] : memref<2x10112x16xf32, #tpu.memory_space<vmem>>, vector<1x10000x1xf32>
    %get3A_3 = vector.shape_cast %get3A_2 : vector<1x10000x1xf32> to vector<10000xf32>
    %get3A_4 = arith.constant 1 : index
    %get3A_5 = arith.constant 0 : index
    %get3A_6 = arith.constant 0 : index
    %get3A_7 = vector.load %arg2[%get3A_4, %get3A_5, %get3A_6] : memref<2x10112x16xf32, #tpu.memory_space<vmem>>, vector<1x10000x1xf32>
    %get3A_8 = vector.shape_cast %get3A_7 : vector<1x10000x1xf32> to vector<10000xf32>
    %add3A = arith.addf %get3A_3, %get3A_8 : vector<10000xf32>
    %add3A_9 = arith.constant 1.000000e+00 : f32
    %add3A_10 = vector.broadcast %add3A_9 : f32 to vector<10000xf32>
    %add3A_11 = arith.addf %add3A, %add3A_10 : vector<10000xf32>
    %rsqrt3A = math.rsqrt %add3A_11 : vector<10000xf32>
    %swap3A = arith.constant 0 : index
    %swap3A_12 = arith.constant 0 : index
    %swap3A_13 = vector.load %arg4[%swap3A, %swap3A_12] : memref<1x10000xf32, #tpu.memory_space<vmem>>, vector<1x10000xf32>
    %swap3A_14 = vector.shape_cast %swap3A_13 : vector<1x10000xf32> to vector<10000xf32>
    %swap3A_15 = vector.shape_cast %rsqrt3A : vector<10000xf32> to vector<1x10000xf32>
    tpu.vector_store %arg4[%swap3A, %swap3A_12], %swap3A_15 {strides = array<i32>} : memref<1x10000xf32, #tpu.memory_space<vmem>>, vector<1x10000xf32>,
    %get3A_16 = arith.constant 0 : index
    %get3A_17 = arith.constant 0 : index
    %get3A_18 = vector.load %arg0[%get3A_16, %get3A_17] : memref<10000x128xf32, #tpu.memory_space<vmem>>, vector<10000x128xf32>
    %get3A_19 = arith.constant 0 : index
    %get3A_20 = arith.constant 0 : index
    %get3A_21 = vector.load %arg1[%get3A_19, %get3A_20] : memref<128x128xf32, #tpu.memory_space<vmem>>, vector<128x128xf32>
    %dot_general3A = arith.constant dense<0.000000e+00> : vector<10000x128xf32>
    %dot_general3A_22 = tpu.matmul %get3A_18, %get3A_21, %dot_general3A {dimension_numbers = #tpu.dot_dimension_numbers<[1], [0], [0], [1], [0, 0, 1, 1], [], []>, transpose_lhs_hint = false} : vector<10000x128xf32>, vector<128x128xf32>, vector<10000x128xf32> -> vector<10000x128xf32>
    %broadcast_in_dim3A = vector.shape_cast %rsqrt3A : vector<10000xf32> to vector<10000x1xf32>
    %mul3A = vector.broadcast %broadcast_in_dim3A : vector<10000x1xf32> to vector<10000x128xf32>
    %mul3A_23 = arith.mulf %dot_general3A_22, %mul3A : vector<10000x128xf32>
    %swap3A_24 = arith.constant 0 : index
    %swap3A_25 = arith.constant 0 : index
    %swap3A_26 = vector.load %arg3[%swap3A_24, %swap3A_25] : memref<10000x128xf32, #tpu.memory_space<vmem>>, vector<10000x128xf32>
    tpu.vector_store %arg3[%swap3A_24, %swap3A_25], %mul3A_23 {strides = array<i32>} : memref<10000x128xf32, #tpu.memory_space<vmem>>, vector<10000x128xf32>,
    return
  }
}

module attributes {stable_mosaic.version = 14 : i64} {
  func.func @body(%arg0: memref<2x10112x128xf32, #tpu.memory_space<vmem>>, %arg1: memref<10000x128xf32, #tpu.memory_space<vmem>>, %arg2: memref<1x10000xf32, #tpu.memory_space<vmem>>, %arg3: memref<1x128xf32, #tpu.memory_space<vmem>>, %arg4: memref<128x128xf32, #tpu.memory_space<vmem>>, %arg5: memref<10000x128xf32, #tpu.memory_space<vmem>>) attributes {dimension_semantics = [], scalar_prefetch = 0 : i64, scratch_operands = 0 : i64, tpu.core_type = #tpu.core_type<tc>} {
    %get3A = arith.constant 0 : index
    %get3A_0 = arith.constant 0 : index
    %get3A_1 = vector.load %arg2[%get3A, %get3A_0] : memref<1x10000xf32, #tpu.memory_space<vmem>>, vector<1x10000xf32>
    %get3A_2 = vector.shape_cast %get3A_1 : vector<1x10000xf32> to vector<10000xf32>
    %broadcast_in_dim3A = vector.shape_cast %get3A_2 : vector<10000xf32> to vector<10000x1xf32>
    %get3A_3 = arith.constant 0 : index
    %get3A_4 = arith.constant 0 : index
    %get3A_5 = arith.constant 0 : index
    %get3A_6 = vector.load %arg0[%get3A_3, %get3A_4, %get3A_5] : memref<2x10112x128xf32, #tpu.memory_space<vmem>>, vector<1x10000x128xf32>
    %get3A_7 = vector.shape_cast %get3A_6 : vector<1x10000x128xf32> to vector<10000x128xf32>
    %get3A_8 = arith.constant 1 : index
    %get3A_9 = arith.constant 0 : index
    %get3A_10 = arith.constant 0 : index
    %get3A_11 = vector.load %arg0[%get3A_8, %get3A_9, %get3A_10] : memref<2x10112x128xf32, #tpu.memory_space<vmem>>, vector<1x10000x128xf32>
    %get3A_12 = vector.shape_cast %get3A_11 : vector<1x10000x128xf32> to vector<10000x128xf32>
    %add3A = arith.addf %get3A_7, %get3A_12 : vector<10000x128xf32>
    %get3A_13 = arith.constant 0 : index
    %get3A_14 = arith.constant 0 : index
    %get3A_15 = vector.load %arg1[%get3A_13, %get3A_14] : memref<10000x128xf32, #tpu.memory_space<vmem>>, vector<10000x128xf32>
    %add3A_16 = arith.addf %add3A, %get3A_15 : vector<10000x128xf32>
    %mul3A = vector.broadcast %broadcast_in_dim3A : vector<10000x1xf32> to vector<10000x128xf32>
    %mul3A_17 = arith.mulf %add3A_16, %mul3A : vector<10000x128xf32>
    %get3A_18 = arith.constant 0 : index
    %get3A_19 = arith.constant 0 : index
    %get3A_20 = vector.load %arg3[%get3A_18, %get3A_19] : memref<1x128xf32, #tpu.memory_space<vmem>>, vector<1x128xf32>
    %add3A_21 = vector.broadcast %get3A_20 : vector<1x128xf32> to vector<10000x128xf32>
    %add3A_22 = arith.addf %mul3A_17, %add3A_21 : vector<10000x128xf32>
    %max3A = arith.constant 0.000000e+00 : f32
    %max3A_23 = vector.broadcast %max3A : f32 to vector<10000x128xf32>
    %max3A_24 = arith.maximumf %add3A_22, %max3A_23 : vector<10000x128xf32>
    %get3A_25 = arith.constant 0 : index
    %get3A_26 = arith.constant 0 : index
    %get3A_27 = vector.load %arg4[%get3A_25, %get3A_26] : memref<128x128xf32, #tpu.memory_space<vmem>>, vector<128x128xf32>
    %dot_general3A = arith.constant dense<0.000000e+00> : vector<10000x128xf32>
    %dot_general3A_28 = tpu.matmul %max3A_24, %get3A_27, %dot_general3A {dimension_numbers = #tpu.dot_dimension_numbers<[1], [0], [0], [1], [0, 0, 1, 1], [], []>, transpose_lhs_hint = false} : vector<10000x128xf32>, vector<128x128xf32>, vector<10000x128xf32> -> vector<10000x128xf32>
    %mul3A_29 = vector.broadcast %broadcast_in_dim3A : vector<10000x1xf32> to vector<10000x128xf32>
    %mul3A_30 = arith.mulf %dot_general3A_28, %mul3A_29 : vector<10000x128xf32>
    %swap3A = arith.constant 0 : index
    %swap3A_31 = arith.constant 0 : index
    %swap3A_32 = vector.load %arg5[%swap3A, %swap3A_31] : memref<10000x128xf32, #tpu.memory_space<vmem>>, vector<10000x128xf32>
    tpu.vector_store %arg5[%swap3A, %swap3A_31], %mul3A_30 {strides = array<i32>} : memref<10000x128xf32, #tpu.memory_space<vmem>>, vector<10000x128xf32>,
    return
  }
}

module attributes {stable_mosaic.version = 14 : i64} {
  func.func @body(%arg0: memref<2x10112x128xf32, #tpu.memory_space<vmem>>, %arg1: memref<10000x128xf32, #tpu.memory_space<vmem>>, %arg2: memref<1x10000xf32, #tpu.memory_space<vmem>>, %arg3: memref<1x128xf32, #tpu.memory_space<vmem>>, %arg4: memref<1x10000xi32, #tpu.memory_space<vmem>>, %arg5: memref<32x128xf32, #tpu.memory_space<vmem>>) attributes {dimension_semantics = [], scalar_prefetch = 0 : i64, scratch_operands = 0 : i64, tpu.core_type = #tpu.core_type<tc>} {
    %get3A = arith.constant 0 : index
    %get3A_0 = arith.constant 0 : index
    %get3A_1 = vector.load %arg2[%get3A, %get3A_0] : memref<1x10000xf32, #tpu.memory_space<vmem>>, vector<1x10000xf32>
    %get3A_2 = vector.shape_cast %get3A_1 : vector<1x10000xf32> to vector<10000xf32>
    %broadcast_in_dim3A = vector.shape_cast %get3A_2 : vector<10000xf32> to vector<10000x1xf32>
    %get3A_3 = arith.constant 0 : index
    %get3A_4 = arith.constant 0 : index
    %get3A_5 = arith.constant 0 : index
    %get3A_6 = vector.load %arg0[%get3A_3, %get3A_4, %get3A_5] : memref<2x10112x128xf32, #tpu.memory_space<vmem>>, vector<1x10000x128xf32>
    %get3A_7 = vector.shape_cast %get3A_6 : vector<1x10000x128xf32> to vector<10000x128xf32>
    %get3A_8 = arith.constant 1 : index
    %get3A_9 = arith.constant 0 : index
    %get3A_10 = arith.constant 0 : index
    %get3A_11 = vector.load %arg0[%get3A_8, %get3A_9, %get3A_10] : memref<2x10112x128xf32, #tpu.memory_space<vmem>>, vector<1x10000x128xf32>
    %get3A_12 = vector.shape_cast %get3A_11 : vector<1x10000x128xf32> to vector<10000x128xf32>
    %add3A = arith.addf %get3A_7, %get3A_12 : vector<10000x128xf32>
    %get3A_13 = arith.constant 0 : index
    %get3A_14 = arith.constant 0 : index
    %get3A_15 = vector.load %arg1[%get3A_13, %get3A_14] : memref<10000x128xf32, #tpu.memory_space<vmem>>, vector<10000x128xf32>
    %add3A_16 = arith.addf %add3A, %get3A_15 : vector<10000x128xf32>
    %mul3A = vector.broadcast %broadcast_in_dim3A : vector<10000x1xf32> to vector<10000x128xf32>
    %mul3A_17 = arith.mulf %add3A_16, %mul3A : vector<10000x128xf32>
    %get3A_18 = arith.constant 0 : index
    %get3A_19 = arith.constant 0 : index
    %get3A_20 = vector.load %arg3[%get3A_18, %get3A_19] : memref<1x128xf32, #tpu.memory_space<vmem>>, vector<1x128xf32>
    %add3A_21 = vector.broadcast %get3A_20 : vector<1x128xf32> to vector<10000x128xf32>
    %add3A_22 = arith.addf %mul3A_17, %add3A_21 : vector<10000x128xf32>
    %iota3A = tpu.iota {dimensions = array<i32: 0>} : vector<32x10000xi32>
    %get3A_23 = arith.constant 0 : index
    %get3A_24 = arith.constant 0 : index
    %get3A_25 = vector.load %arg4[%get3A_23, %get3A_24] : memref<1x10000xi32, #tpu.memory_space<vmem>>, vector<1x10000xi32>
    %get3A_26 = vector.shape_cast %get3A_25 : vector<1x10000xi32> to vector<10000xi32>
    %broadcast_in_dim3A_27 = vector.shape_cast %get3A_26 : vector<10000xi32> to vector<1x10000xi32>
    %eq3A = vector.broadcast %broadcast_in_dim3A_27 : vector<1x10000xi32> to vector<32x10000xi32>
    %eq3A_28 = arith.cmpi eq, %iota3A, %eq3A : vector<32x10000xi32>
    %convert_element_type3A = arith.extui %eq3A_28 : vector<32x10000xi1> to vector<32x10000xi32>
    %convert_element_type3A_29 = arith.sitofp %convert_element_type3A : vector<32x10000xi32> to vector<32x10000xf32>
    %dot_general3A = arith.constant dense<0.000000e+00> : vector<32x128xf32>
    %dot_general3A_30 = tpu.matmul %convert_element_type3A_29, %add3A_22, %dot_general3A {dimension_numbers = #tpu.dot_dimension_numbers<[1], [0], [0], [1], [0, 0, 1, 1], [], []>, transpose_lhs_hint = false} : vector<32x10000xf32>, vector<10000x128xf32>, vector<32x128xf32> -> vector<32x128xf32>
    %reduce_sum3A = arith.constant dense<0.000000e+00> : vector<32xf32>
    %reduce_sum3A_31 = vector.multi_reduction <add>, %convert_element_type3A_29, %reduce_sum3A [1] : vector<32x10000xf32> to vector<32xf32>
    %broadcast_in_dim3A_32 = vector.shape_cast %reduce_sum3A_31 : vector<32xf32> to vector<32x1xf32>
    %max3A = arith.constant 1.000000e+00 : f32
    %max3A_33 = vector.broadcast %max3A : f32 to vector<32x1xf32>
    %max3A_34 = arith.maximumf %broadcast_in_dim3A_32, %max3A_33 : vector<32x1xf32>
    %div3A = vector.broadcast %max3A_34 : vector<32x1xf32> to vector<32x128xf32>
    %div3A_35 = arith.divf %dot_general3A_30, %div3A : vector<32x128xf32>
    %swap3A = arith.constant 0 : index
    %swap3A_36 = arith.constant 0 : index
    %swap3A_37 = vector.load %arg5[%swap3A, %swap3A_36] : memref<32x128xf32, #tpu.memory_space<vmem>>, vector<32x128xf32>
    tpu.vector_store %arg5[%swap3A, %swap3A_36], %div3A_35 {strides = array<i32>} : memref<32x128xf32, #tpu.memory_space<vmem>>, vector<32x128xf32>,
    return
  }
}

</mosaic_0001>

<sc_bundles>
// kernel: kernel.11.cloned.1.call-start
scs
__scs_entry_jumppad:
0x0: {  	(pc) =	sbr.rel $0x88, $3  }
0x1: {  	(tag) =	ssettag $0x0;
	lr =	simm.s32 $0x1  }
0x2: {  	[smem:$0x3F9A] =	sst lr;
	_ =	strace $0xD0000000  }
0x3: {  	_ = 	snop  }
0x4: {  	_ = 	snop  }
0x5: {  	_ = 	snop  }
0x6: {  	_ = 	snop  }
0x7: {  	_ = 	snop  }
__scs_overlays_trampoline_lowered:
0x8: {  	[smem:$0x3FA9] =	sst s0  }
0x9: {  	[smem:$0x3FAA] =	sst s1  }
0xa: {  	[smem:$0x3FAB] =	sst s2  }
0xb: {  	[smem:$0x3FAC] =	sst s3  }
0xc: {  	[smem:$0x3FAD] =	sst s4  }
0xd: {  	[smem:$0x3FAE] =	sst s5  }
0xe: {  	[smem:$0x3FAF] =	sst s6  }
0xf: {  	[smem:$0x3FB0] =	sst s7  }
0x10: {  	[smem:$0x3FB1] =	sst s8  }
0x11: {  	[smem:$0x3FB2] =	sst s9;
	s0 =	simm.s32 @!p0 $0x0  }
0x12: {  	s1 =	sld [smem:$0x3F98];
	s0 =	simm.s32 @p0 $0x1  }
0x13: {  	[smem:$0x3FB3] =	sst s0;
	s0 =	simm.s32 @!p1 $0x0  }
0x14: {  	s2 =	sld [smem:$0x3F97];
	s0 =	simm.s32 @p1 $0x1  }
0x15: {  	[smem:$0x3FB4] =	sst s0;
	s0 =	simm.s32 @!p2 $0x0  }
0x16: {  	s3 =	sld [smem:$0x3FDB];
	s0 =	simm.s32 @p2 $0x1  }
0x17: {  	s4 =	simm.s32 $0x1BF5;
	[smem:$0x3FB6] =	sst s0  }
0x18: {  	s0 =	sld [smem:$0x3F99];
	_ =	swait.ge [sflag:s4], $0x0  }
0x19: {  	s7 =	sld [smem:$0x3F9A]  }
0x1a: {  	s8 =	sadd.s32 $0xFFFFE003, lr  }
0x1b: {  	s9 =	sadd.s32 $0xFFFFFEF7, lr;
	s5 =	simm.s32 $0xFFFFFFFF;
	p2 =	slt.u32 s8, $0xFFFFF086  }
0x1c: {  	p1 =	slt.u32 s9, $0xF7A;
	s5 =	simm.s32 @!p2 $0x0  }
0x1d: {  	s5 =	simm.s32 @p1 $0x1;
	p0 =	seq.s32 s7, s2  }
0x1e: {  	s7 =	smul.u32 @!p0 $0xF7A, s2;
	p2 =	seq.s32 @!p0 s5, $0x0  }
0x1f: {  	s9 =	smul.u32 $0xF7A, s1;
	s8 =	simm.s32 @!p0 $0x1BF5;
	p2 =	por !p2, p0  }
0x20: {  	[sflag:s8] =	ssyncset.s32 @!p0 $0xFFFFF086;
	s6 =	sadd.s32 @!p0 s3, s7;
	s7 =	simm.s32 @!p0 $0x108  }
0x21: {  	s3 =	sadd.s32 s3, s9;
	s6 =	sadd.s32 @!p0 $0x88, s6;
	s7 =	simm.s32 @p2 $0x1082  }
0x22: {  	[simem:s7], [sflag:s8] =	dma.local @!p0 [hbm:s6], $0xF7A  }
0x23: {  	s9 =	sor.u32 $0xD0000000, s2;
	s6 =	simm.s32 $0x108;
	_ =	swait.ge @!p0 [sflag:s8], $0x0  }
0x24: {  	s3 =	sadd.s32 $0x88, s3;
	s6 =	simm.s32 @!p1 $0x1082;
	[sflag:s4] =	ssyncset.s32 $0xFFFFF086  }
0x25: {  	[simem:s6], [sflag:s4] =	dma.local [hbm:s3], $0xF7A  }
0x26: {  	[smem:$0x3F9A] =	sst s1;
	(tag) =	ssettag s2;
	_ =	strace s9  }
0x27: {  	s1 =	sld [smem:$0x3FAA]  }
0x28: {  	s2 =	sld [smem:$0x3FAB]  }
0x29: {  	s4 =	sld [smem:$0x3FAD]  }
0x2a: {  	p0 =	seq.s32 s5, $0x0;
	s5 =	sld [smem:$0x3FAE]  }
0x2b: {  	s6 =	sld [smem:$0x3FAF]  }
0x2c: {  	s7 =	sld [smem:$0x3FB0]  }
0x2d: {  	s3 =	simm.s32 $0x108;
	s8 =	sld [smem:$0x3FB1]  }
0x2e: {  	s3 =	simm.s32 @!p0 $0x1082;
	s9 =	sld [smem:$0x3FB2]  }
0x2f: {  	lr =	sadd.s32 s0, s3;
	s0 =	sld [smem:$0x3FA9]  }
0x30: {  	s3 =	sld [smem:$0x3FAC]  }
0x31: {  	[smem:$0x3FB5] =	sst s10  }
0x32: {  	s10 =	sld [smem:$0x3FB3];
	_ =	sdelay $0x3  }
0x33: {  	p0 =	seq.s32 s10, $0x1;
	s10 =	sld [smem:$0x3FB5];
	_ =	sdelay $0x3  }
0x34: {  	[smem:$0x3FB5] =	sst s10  }
0x35: {  	s10 =	sld [smem:$0x3FB4];
	_ =	sdelay $0x3  }
0x36: {  	p1 =	seq.s32 s10, $0x1;
	s10 =	sld [smem:$0x3FB5];
	_ =	sdelay $0x3  }
0x37: {  	[smem:$0x3FB5] =	sst s10  }
0x38: {  	s10 =	sld [smem:$0x3FB6]  }
0x39: {  	_ = 	snop;
	(pc) =	sbr.ind lr, $3  }
0x3a: {  	_ = 	snop  }
0x3b: {  	_ = 	snop  }
0x3c: {  	p2 =	seq.s32 s10, $0x1;
	s10 =	sld [smem:$0x3FB5]  }
0x3d: {  	_ =	shalt  }
0x3e: {  	_ =	shalt  }
0x3f: {  	_ =	shalt  }
0x40: {  	_ =	shalt  }
0x41: {  	_ =	shalt  }
0x42: {  	_ =	shalt  }
0x43: {  	_ =	shalt  }
0x44: {  	_ =	shalt  }
0x45: {  	_ =	shalt  }
0x46: {  	_ =	shalt  }
0x47: {  	_ =	shalt  }
0x48: {  	_ =	shalt  }
0x49: {  	_ =	shalt  }
0x4a: {  	_ =	shalt  }
0x4b: {  	_ =	shalt  }
0x4c: {  	_ =	shalt  }
0x4d: {  	_ =	shalt  }
0x4e: {  	_ =	shalt  }
0x4f: {  	_ =	shalt  }
0x50: {  	_ =	shalt  }
0x51: {  	_ =	shalt  }
0x52: {  	_ =	shalt  }
0x53: {  	_ =	shalt  }
0x54: {  	_ =	shalt  }
0x55: {  	_ =	shalt  }
0x56: {  	_ =	shalt  }
0x57: {  	_ =	shalt  }
0x58: {  	_ =	shalt  }
0x59: {  	_ =	shalt  }
0x5a: {  	_ =	shalt  }
0x5b: {  	_ =	shalt  }
0x5c: {  	_ =	shalt  }
0x5d: {  	_ =	shalt  }
0x5e: {  	_ =	shalt  }
0x5f: {  	_ =	shalt  }
0x60: {  	_ =	shalt  }
0x61: {  	_ =	shalt  }
0x62: {  	_ =	shalt  }
0x63: {  	_ =	shalt  }
0x64: {  	_ =	shalt  }
0x65: {  	_ =	shalt  }
0x66: {  	_ =	shalt  }
0x67: {  	_ =	shalt  }
0x68: {  	_ =	shalt  }
0x69: {  	_ =	shalt  }
0x6a: {  	_ =	shalt  }
0x6b: {  	_ =	shalt  }
0x6c: {  	_ =	shalt  }
0x6d: {  	_ =	shalt  }
0x6e: {  	_ =	shalt  }
0x6f: {  	_ =	shalt  }
0x70: {  	_ =	shalt  }
0x71: {  	_ =	shalt  }
0x72: {  	_ =	shalt  }
0x73: {  	_ =	shalt  }
0x74: {  	_ =	shalt  }
0x75: {  	_ =	shalt  }
0x76: {  	_ =	shalt  }
0x77: {  	_ =	shalt  }
0x78: {  	_ =	shalt  }
0x79: {  	_ =	shalt  }
0x7a: {  	_ =	shalt  }
0x7b: {  	_ =	shalt  }
0x7c: {  	_ =	shalt  }
0x7d: {  	_ =	shalt  }
0x7e: {  	_ =	shalt  }
0x7f: {  	_ =	shalt  }
0x80: {  	_ =	shalt  }
0x81: {  	_ =	shalt  }
0x82: {  	_ =	shalt  }
0x83: {  	_ =	shalt  }
0x84: {  	_ =	shalt  }
0x85: {  	_ =	shalt  }
0x86: {  	_ =	shalt  }
0x87: {  	_ =	shalt  }
.Lfunc_end0:
.L_simem_size_0:
called_computation.1_lowered:
.L_overlay_start_0:
0x88: {  	s2 =	sld [smem:$0x3FD9]  }
0x89: {  	s3 =	sld [smem:$0x3FFE];
	_ =	sdelay $0x1  }
0x8a: {  	s1 =	srdreg.scid  }
0x8b: {  	s0 =	sand.u32 $0x1, s1  }
0x8c: {  	s16 =	sshll.u32 s0, $0xA;
	s2 =	sadd.s32 s3, s2  }
0x8d: {  	s2 =	sadd.s32 s2, s16  }
0x8e: {  	[smem:$0x3FC1] =	sst s2  }
0x8f: {  	_ = 	snop  }
0x90: {  	(tm) =	ssettm $0x1  }
0x91: {  	s17 =	sld [smem:$0x3FFB];
	_ =	sdelay $0x3  }
0x92: {  	_ =	strace s17  }
0x93: {  	s2 =	sld [smem:$0x3FFC];
	_ =	sdelay $0x3  }
0x94: {  	_ =	strace s2  }
0x95: {  	s2 =	sld [smem:$0x3FFD];
	_ =	sdelay $0x3  }
0x96: {  	_ =	strace s2  }
0x97: {  	_ =	strace $0x8FFFFFFF  }
0x98: {  	s18 =	sld [smem:$0x3FDB];
	_ =	sdelay $0x1  }
0x99: {  	s19 =	simm.s32 $_scs_section_size  }
0x9a: {  	s4 =	simm.s32 $_size__tile_overlayer_lowered;
	s5 =	simm.s32 $_tile_overlayer_lowered  }
0x9b: {  	s22 =	simm.s32 $0x1BFF;
	s21 =	sshll.u32 s5, $0x1;
	s2 =	sadd.s32 s19, s18  }
0x9c: {  	s6 =	simm.s32 $0x0;
	s20 =	sshll.u32 s4, $0x1;
	s4 =	sadd.s32 s21, s2  }
0x9d: {  	[timem:s6], [sflag:s22] =	dma.local [hbm:s4], s20  }
0x9e: {  	_ =	swait.ge [sflag:s22], s20  }
0x9f: {  	s3 =	ssub.s32 $0x0, s20;
	[sflag:s22] =	ssyncset.done $0x0  }
0xa0: {  	[sflag:s22] =	ssyncadd.s32 s3;
	_ =	sdelay $0x1  }
0xa1: {  	s23 =	simm.s32 $0x1B8B  }
0xa2: {  	_ =	swait.ge [sflag:s23], $0x1  }
0xa3: {  	[sflag:s23] =	ssyncset.done $0x0  }
0xa4: {  	s25 =	simm.s32 $0x1B8E;
	s24 =	sld [smem:$0x3FFE];
	[sflag:s23] =	ssyncadd.s32 $0xFFFFFFFF  }
0xa5: {  	s26 =	simm.s32 $execute0_lowered;
	[smem:$0x3FD2] =	sst s25  }
0xa6: {  	s4 =	sshll.u32 s26, $0x1;
	_ =	strace $0x80000049;
	[dreg:$0x1] =	wrdreg $0xFFFFFFFF  }
0xa7: {  	s28 =	simm.s32 $_size_execute0_lowered;
	s2 =	sadd.s32 s2, s4;
	[dreg:$0x0] =	wrdreg $0x0  }
0xa8: {  	s4 =	sshll.u32 s28, $0x1;
	[dreg:$0x2] =	wrdreg s2  }
0xa9: {  	[dreg:$0x3] =	wrdreg s4  }
0xaa: {  	[dreg:$0x4] =	wrdreg $0xC0  }
0xab: {  	_ =	task [dreg:s6], $0x5FFFF  }
0xac: {  	[dreg:$0x1] =	wrdreg $0xFFFFFFFF  }
0xad: {  	[dreg:$0x0] =	wrdreg $0x60  }
0xae: {  	[dreg:$0x2] =	wrdreg s24  }
0xaf: {  	[dreg:$0x3] =	wrdreg $0xA8000  }
0xb0: {  	[dreg:$0x4] =	wrdreg $0x9  }
0xb1: {  	_ =	task.clear_ibuf [dreg:s6], $0x5FFFF;
	_ =	strace $0x90000049  }
0xb2: {  	s29 =	simm.s32 $0x9;
	_ =	strace $0x8000004B  }
0xb3: {  	_ =	swait.ge [sflag:s29], $0x1  }
0xb4: {  	[sflag:s29] =	ssyncadd.s32 $0xFFFFFFFF  }
0xb5: {  	_ =	strace $0x9000004B  }
0xb6: {  	_ =	sfence  }
0xb7: {  	s30 =	sld [smem:$0x0];
	_ =	sdelay $0x2  }
0xb8: {  	s31 =	sshll.u32 s1, $0xD;
	s1 =	sshrl.u32 s1, $0x2  }
0xb9: {  	s3 =	sand.u32 $0x4000, s31;
	s1 =	sadd.s32 s1, s30  }
0xba: {  	s0 =	sor.u32 s3, s0;
	s1 =	sshll.u32 s1, $0x11  }
0xbb: {  	s0 =	sor.u32 s1, s0  }
0xbc: {  	s0 =	sadd.s32 $0x8F2B, s0  }
0xbd: {  	[sflag:s0] =	ssyncadd.remote.s32 $0x1  }
0xbe: {  	_ =	sfence.sel $0xFFFF  }
0xbf: {  	[dreg:$0x0] =	wrdreg $0xFFFFFFFF;
	(pc) =	sbr.abs _section_cstart, $3  }
0xc0: {  	[dreg:$0x1] =	wrdreg $0xFFFFFFFF  }
0xc1: {  	_ =	task.clear_ibuf [dreg:s6], $0x2FFFF;
	_ =	strace $0x9FFFFFFF  }
0xc2: {  	(tm) =	ssettm $0x7FFFFFFF  }
0xc3: {  	_ =	shalt  }
tec
execute0_lowered:
.L_overlay_start_1:
0x0: {  	(tag) =	ssettag $0x1  }
0x1: {  	s0 =	srdreg.scid;
	s6 =	rddreg [dreg:$0x0]  }
0x2: {  	s2 =	rddreg [dreg:$0x1];
	s3 =	simm.s32 $0x0;
	s14 =	simm.s32 $0x80  }
0x3: {  	s15 =	simm.s32 $0x2800;
	s16 =	simm.s32 $0x6800;
	s17 =	simm.s32 $0x1  }
0x4: {  	s18 =	simm.s32 $0x2;
	s5 =	sand.u32 $0x1, s0;
	s0 =	stileid.u32  }
0x5: {  	s19 =	simm.s32 $0x2700;
	s20 =	simm.s32 $0x2780;
	s8 =	smul.u32 $0x13C00, s0  }
0x6: {  	s23 =	simm.s32 $0x0;
	[smem:$0x7FF] =	sst s3;
	s9 =	smul.u32 $0x13C000, s5  }
0x7: {  	s1 =	sshll.u32 s5, $0x4;
	s5 =	ssub.s32 $0x2, s5;
	s29 =	smul.u32 $0x4F000, s0  }
0x8: {  	s31 =	sshll.u32 s0, $0x6;
	s4 =	sor.u32 s0, s1;
	s1 =	rddreg [dreg:$0x2]  }
0x9: {  	_ =	strace $0x8000004A;
	s11 =	sshrl.u32 s5, $0x1;
	s7 =	smul.u32 $0x500, s4  }
0xa: {  	s4 =	sadd.s32 $0xC600, s6;
	s28 =	sshrl.u32 s8, $0x3;
	s8 =	sadd.s32 s8, s9  }
0xb: {  	s11 =	ssub.s32 s5, s11;
	s30 =	sshrl.u32 s29, $0x2;
	s8 =	sshrl.u32 s8, $0x3  }
0xc: {  	s13 =	sadd.s32 s30, s2;
	s10 =	sadd.s32 s7, s6;
	s7 =	sadd.s32 s28, s6  }
0xd: {  	s12 =	sadd.s32 s8, s6;
	s6 =	sor.u32 $0x1C03, s31;
	s5 =	sadd.s32 $0x33800, s7  }
0xe: {  	s7 =	sadd.s32 $0x82E00, s10;
	s8 =	sadd.s32 $0x2600, s10;
	s9 =	sadd.s32 $0x8CE00, s12  }
0xf: {  	s10 =	smax.u32 s11, $0x1;
	s11 =	sshrl.u32 s13, $0x3;
	s12 =	simm.s32 $0x3  }
0x10: {  	s13 =	simm.s32 $0x1400;
	s21 =	sadd.s32 $0x280, s7;
	s22 =	sadd.s32 $0x280, s8  }
.LBB2_1:
0x11: {  	[spmem:s11], [sflag:s6] =	dma.local [hbm:s5], $0x2780  }
0x12: {  	_ =	swait.ge [sflag:s12], $0x2780  }
0x13: {  	[sflag:s12] =	ssyncset.done $0x0  }
0x14: {  	[sflag:s12] =	ssyncadd.s32 $0xFFFFD880  }
0x15: {  	[bflag:$0x0] =	sbarrier.arrive $0xFFFF  }
0x16: {  	[tilespmem:s3], [sflag:$0x3] =	stream.linear.gather [hbm4b:s7+s3], $0x1400, $0x38;
	[tilespmem:$0x1E400] =	vst v63  }
0x17: {  	_ =	swait.ge [sflag:s12], $0x1400  }
0x18: {  	[sflag:s12] =	ssyncset.done $0x0  }
0x19: {  	[sflag:s12] =	ssyncadd.s32 $0xFFFFEC00  }
0x1a: {  	[tilespmem:s13], [sflag:$0x3] =	stream.linear.gather [hbm4b:s8+s3], $0x1400, $0x38;
	[tilespmem:$0x1E400] =	vst v63  }
0x1b: {  	_ =	swait.ge [sflag:s12], $0x1400  }
0x1c: {  	[sflag:s12] =	ssyncset.done $0x0  }
0x1d: {  	[sflag:s12] =	ssyncadd.s32 $0xFFFFEC00  }
0x1e: {  	[tilespmem:s15], [sflag:$0x1] =	stream.indirect.gather [hbm4b:s4+s14], $0x80, s3, s14, $0xb8;
	[tilespmem:$0x1E400] =	vst v63  }
0x1f: {  	_ = 	snop  }
0x20: {  	[tilespmem:s16], [sflag:$0x2] =	stream.indirect.gather [hbm4b:s4+s14], $0x80, s14, s14, $0xb8;
	[tilespmem:$0x1E400] =	vst v63  }
0x21: {  	_ =	swait.ge [sflag:s17], $0x4000  }
0x22: {  	[sflag:s17] =	ssyncset.done $0x0  }
0x23: {  	s24 =	simm.s32 $0x1400;
	[sflag:s17] =	ssyncadd.s32 $0xFFFFC000  }
0x24: {  	[spmem:s2] =	stream.indirect.scatter.add.f32 [tilespmem:s15], [sflag:$0x3], $0x80, s24, s14, $0xb8;
	[tilespmem:$0x1E400] =	vst v63  }
0x25: {  	_ =	swait.ge [sflag:s12], $0x4000  }
0x26: {  	[sflag:s12] =	ssyncset.done $0x0  }
0x27: {  	s30 =	simm.s32 $0x100;
	[sflag:s12] =	ssyncadd.s32 $0xFFFFC000  }
0x28: {  	[tilespmem:s15], [sflag:$0x1] =	stream.indirect.gather [hbm4b:s4+s14], $0x80, s30, s14, $0xb8;
	[tilespmem:$0x1E400] =	vst v63  }
0x29: {  	_ =	swait.ge [sflag:s18], $0x4000  }
0x2a: {  	[sflag:s18] =	ssyncset.done $0x0  }
0x2b: {  	s31 =	simm.s32 $0x1480;
	[sflag:s18] =	ssyncadd.s32 $0xFFFFC000  }
0x2c: {  	[spmem:s2] =	stream.indirect.scatter.add.f32 [tilespmem:s16], [sflag:$0x3], $0x80, s31, s14, $0xb8;
	[tilespmem:$0x1E400] =	vst v63  }
0x2d: {  	_ =	swait.ge [sflag:s12], $0x4000  }
0x2e: {  	[sflag:s12] =	ssyncset.done $0x0  }
0x2f: {  	s25 =	simm.s32 $0x180;
	s24 =	simm.s32 $0x400;
	[sflag:s12] =	ssyncadd.s32 $0xFFFFC000  }
.LBB2_2:
0x30: {  	[tilespmem:s16], [sflag:$0x2] =	stream.indirect.gather [hbm4b:s4+s14], $0x80, s25, s14, $0xb8;
	[tilespmem:$0x1E400] =	vst v63  }
0x31: {  	s25 =	smov.u32 s24  }
0x32: {  	p0 =	sne.s32 s24, $0x4800;
	s24 =	sadd.s32 $0x400, s24;
	_ =	swait.ge [sflag:s17], $0x4000  }
0x33: {  	s25 =	sshra.s32 s25, $0x2;
	[sflag:s17] =	ssyncset.done $0x0  }
0x34: {  	s26 =	sadd.s32 $0x1400, s25;
	[sflag:s17] =	ssyncadd.s32 $0xFFFFC000  }
0x35: {  	[spmem:s2] =	stream.indirect.scatter.add.f32 [tilespmem:s15], [sflag:$0x3], $0x80, s26, s14, $0xb8;
	[tilespmem:$0x1E400] =	vst v63  }
0x36: {  	_ =	swait.ge [sflag:s12], $0x4000  }
0x37: {  	[sflag:s12] =	ssyncset.done $0x0  }
0x38: {  	s26 =	sadd.s32 $0x100, s25;
	[sflag:s12] =	ssyncadd.s32 $0xFFFFC000  }
0x39: {  	[tilespmem:s15], [sflag:$0x1] =	stream.indirect.gather [hbm4b:s4+s14], $0x80, s26, s14, $0xb8;
	[tilespmem:$0x1E400] =	vst v63  }
0x3a: {  	_ =	swait.ge [sflag:s18], $0x4000  }
0x3b: {  	[sflag:s18] =	ssyncset.done $0x0  }
.Ltmp0:
0x3c: {  	s26 =	sadd.s32 $0x1480, s25;
	[sflag:s18] =	ssyncadd.s32 $0xFFFFC000;
	(pc) =	sbr.rel @p0 .LBB2_2-.Ltmp0, $4  }
0x3d: {  	[spmem:s2] =	stream.indirect.scatter.add.f32 [tilespmem:s16], [sflag:$0x3], $0x80, s26, s14, $0xb8;
	[tilespmem:$0x1E400] =	vst v63  }
0x3e: {  	_ =	swait.ge [sflag:s12], $0x4000  }
0x3f: {  	[sflag:s12] =	ssyncset.done $0x0  }
0x40: {  	s25 =	sadd.s32 $0x180, s25;
	[sflag:s12] =	ssyncadd.s32 $0xFFFFC000  }
0x41: {  	[tilespmem:s16], [sflag:$0x2] =	stream.indirect.gather [hbm4b:s4+s14], $0x80, s25, s14, $0xb8;
	[tilespmem:$0x1E400] =	vst v63  }
0x42: {  	_ =	swait.ge [sflag:s17], $0x4000  }
0x43: {  	[sflag:s17] =	ssyncset.done $0x0  }
0x44: {  	[sflag:s17] =	ssyncadd.s32 $0xFFFFC000  }
0x45: {  	[spmem:s2] =	stream.indirect.scatter.add.f32 [tilespmem:s15], [sflag:$0x3], $0x80, s19, s14, $0xb8;
	[tilespmem:$0x1E400] =	vst v63  }
0x46: {  	_ =	swait.ge [sflag:s12], $0x4000  }
0x47: {  	[sflag:s12] =	ssyncset.done $0x0  }
0x48: {  	[sflag:s12] =	ssyncadd.s32 $0xFFFFC000  }
0x49: {  	_ =	swait.ge [sflag:s18], $0x4000  }
0x4a: {  	[sflag:s18] =	ssyncset.done $0x0  }
0x4b: {  	[sflag:s18] =	ssyncadd.s32 $0xFFFFC000  }
0x4c: {  	[spmem:s2] =	stream.indirect.scatter.add.f32 [tilespmem:s16], [sflag:$0x3], $0x80, s20, s14, $0xb8;
	[tilespmem:$0x1E400] =	vst v63  }
0x4d: {  	_ =	swait.ge [sflag:s12], $0x4000  }
0x4e: {  	[sflag:s12] =	ssyncset.done $0x0  }
0x4f: {  	s24 =	simm.s32 $0x0;
	[sflag:s12] =	ssyncadd.s32 $0xFFFFC000  }
0x50: {  	[tilespmem:s24], [sflag:$0x3] =	stream.linear.gather [hbm4b:s21+s24], $0x1400, $0x38;
	[tilespmem:$0x1E400] =	vst v63  }
0x51: {  	_ =	swait.ge [sflag:s12], $0x1400  }
0x52: {  	[sflag:s12] =	ssyncset.done $0x0  }
0x53: {  	[sflag:s12] =	ssyncadd.s32 $0xFFFFEC00  }
0x54: {  	[tilespmem:s13], [sflag:$0x3] =	stream.linear.gather [hbm4b:s22+s24], $0x1400, $0x38;
	[tilespmem:$0x1E400] =	vst v63  }
0x55: {  	_ =	swait.ge [sflag:s12], $0x1400  }
0x56: {  	[sflag:s12] =	ssyncset.done $0x0  }
0x57: {  	[sflag:s12] =	ssyncadd.s32 $0xFFFFEC00  }
0x58: {  	[tilespmem:s15], [sflag:$0x1] =	stream.indirect.gather [hbm4b:s4+s14], $0x80, s24, s14, $0xb8;
	[tilespmem:$0x1E400] =	vst v63  }
0x59: {  	_ = 	snop  }
0x5a: {  	[tilespmem:s16], [sflag:$0x2] =	stream.indirect.gather [hbm4b:s4+s14], $0x80, s14, s14, $0xb8;
	[tilespmem:$0x1E400] =	vst v63  }
0x5b: {  	_ =	swait.ge [sflag:s17], $0x4000  }
0x5c: {  	[sflag:s17] =	ssyncset.done $0x0  }
0x5d: {  	s29 =	simm.s32 $0x1400;
	[sflag:s17] =	ssyncadd.s32 $0xFFFFC000  }
0x5e: {  	[spmem:s2] =	stream.indirect.scatter.add.f32 [tilespmem:s15], [sflag:$0x3], $0x80, s29, s14, $0xb8;
	[tilespmem:$0x1E400] =	vst v63  }
0x5f: {  	_ =	swait.ge [sflag:s12], $0x4000  }
0x60: {  	[sflag:s12] =	ssyncset.done $0x0  }
0x61: {  	s30 =	simm.s32 $0x100;
	[sflag:s12] =	ssyncadd.s32 $0xFFFFC000  }
0x62: {  	[tilespmem:s15], [sflag:$0x1] =	stream.indirect.gather [hbm4b:s4+s14], $0x80, s30, s14, $0xb8;
	[tilespmem:$0x1E400] =	vst v63  }
0x63: {  	_ =	swait.ge [sflag:s18], $0x4000  }
0x64: {  	[sflag:s18] =	ssyncset.done $0x0  }
0x65: {  	s31 =	simm.s32 $0x1480;
	[sflag:s18] =	ssyncadd.s32 $0xFFFFC000  }
0x66: {  	[spmem:s2] =	stream.indirect.scatter.add.f32 [tilespmem:s16], [sflag:$0x3], $0x80, s31, s14, $0xb8;
	[tilespmem:$0x1E400] =	vst v63  }
0x67: {  	_ =	swait.ge [sflag:s12], $0x4000  }
0x68: {  	[sflag:s12] =	ssyncset.done $0x0  }
0x69: {  	s25 =	simm.s32 $0x180;
	s24 =	simm.s32 $0x400;
	[sflag:s12] =	ssyncadd.s32 $0xFFFFC000  }
.LBB2_4:
0x6a: {  	[tilespmem:s16], [sflag:$0x2] =	stream.indirect.gather [hbm4b:s4+s14], $0x80, s25, s14, $0xb8;
	[tilespmem:$0x1E400] =	vst v63  }
0x6b: {  	s25 =	smov.u32 s24  }
0x6c: {  	p0 =	sne.s32 s24, $0x4800;
	s24 =	sadd.s32 $0x400, s24;
	_ =	swait.ge [sflag:s17], $0x4000  }
0x6d: {  	s25 =	sshra.s32 s25, $0x2;
	[sflag:s17] =	ssyncset.done $0x0  }
0x6e: {  	s26 =	sadd.s32 $0x1400, s25;
	[sflag:s17] =	ssyncadd.s32 $0xFFFFC000  }
0x6f: {  	[spmem:s2] =	stream.indirect.scatter.add.f32 [tilespmem:s15], [sflag:$0x3], $0x80, s26, s14, $0xb8;
	[tilespmem:$0x1E400] =	vst v63  }
0x70: {  	_ =	swait.ge [sflag:s12], $0x4000  }
0x71: {  	[sflag:s12] =	ssyncset.done $0x0  }
0x72: {  	s26 =	sadd.s32 $0x100, s25;
	[sflag:s12] =	ssyncadd.s32 $0xFFFFC000  }
0x73: {  	[tilespmem:s15], [sflag:$0x1] =	stream.indirect.gather [hbm4b:s4+s14], $0x80, s26, s14, $0xb8;
	[tilespmem:$0x1E400] =	vst v63  }
0x74: {  	_ =	swait.ge [sflag:s18], $0x4000  }
0x75: {  	[sflag:s18] =	ssyncset.done $0x0  }
.Ltmp1:
0x76: {  	s26 =	sadd.s32 $0x1480, s25;
	[sflag:s18] =	ssyncadd.s32 $0xFFFFC000;
	(pc) =	sbr.rel @p0 .LBB2_4-.Ltmp1, $4  }
0x77: {  	[spmem:s2] =	stream.indirect.scatter.add.f32 [tilespmem:s16], [sflag:$0x3], $0x80, s26, s14, $0xb8;
	[tilespmem:$0x1E400] =	vst v63  }
0x78: {  	_ =	swait.ge [sflag:s12], $0x4000  }
0x79: {  	[sflag:s12] =	ssyncset.done $0x0  }
0x7a: {  	s25 =	sadd.s32 $0x180, s25;
	[sflag:s12] =	ssyncadd.s32 $0xFFFFC000  }
0x7b: {  	[tilespmem:s16], [sflag:$0x2] =	stream.indirect.gather [hbm4b:s4+s14], $0x80, s25, s14, $0xb8;
	[tilespmem:$0x1E400] =	vst v63  }
0x7c: {  	_ =	swait.ge [sflag:s17], $0x4000  }
0x7d: {  	[sflag:s17] =	ssyncset.done $0x0  }
0x7e: {  	[sflag:s17] =	ssyncadd.s32 $0xFFFFC000  }
0x7f: {  	[spmem:s2] =	stream.indirect.scatter.add.f32 [tilespmem:s15], [sflag:$0x3], $0x80, s19, s14, $0xb8;
	[tilespmem:$0x1E400] =	vst v63  }
0x80: {  	_ =	swait.ge [sflag:s12], $0x4000  }
0x81: {  	[sflag:s12] =	ssyncset.done $0x0  }
0x82: {  	[sflag:s12] =	ssyncadd.s32 $0xFFFFC000  }
0x83: {  	_ =	swait.ge [sflag:s18], $0x4000  }
0x84: {  	[sflag:s18] =	ssyncset.done $0x0  }
0x85: {  	[sflag:s18] =	ssyncadd.s32 $0xFFFFC000  }
0x86: {  	[spmem:s2] =	stream.indirect.scatter.add.f32 [tilespmem:s16], [sflag:$0x3], $0x80, s20, s14, $0xb8;
	[tilespmem:$0x1E400] =	vst v63  }
0x87: {  	_ =	swait.ge [sflag:s12], $0x4000  }
0x88: {  	s23 =	sadd.s32 $0x1, s23;
	[sflag:s12] =	ssyncset.done $0x0  }
0x89: {  	p0 =	sne.s32 s23, s10;
	[sflag:s12] =	ssyncadd.s32 $0xFFFFC000  }
.Ltmp2:
0x8a: {  	[bflag:$0x0] =	sbarrier.arrive $0xFFFF;
	(pc) =	sbr.rel @p0 .LBB2_1-.Ltmp2, $4  }
0x8b: {  	[hbm:s9], [sflag:s6] =	dma.local [spmem:s11], $0x2780  }
0x8c: {  	_ =	swait.ge [sflag:s12], $0x2780  }
0x8d: {  	[sflag:s12] =	ssyncset.done $0x0  }
0x8e: {  	[sflag:s12] =	ssyncadd.s32 $0xFFFFD880  }
0x8f: {  	_ =	sfence.sel $0x180000  }
0x90: {  	[bflag:$0x0] =	sbarrier.arrive $0xFFFF  }
0x91: {  	p0 =	sne.s32 s0, $0x0;
	_ =	strace $0x9000004A  }
0x92: {  	s0 =	sadd.s32 @!p0 $0x100000, s1;
	[bflag:$0x2] =	sbarrier.arrive $0xFFFF  }
0x93: {  	[sflag:s0] =	ssyncadd.tile.s32 @!p0 $0x1;
	_ =	shalt  }
.Lfunc_end2:
_tile_overlayer_lowered:
.L_overlay_start_2:
0x94: {  	(tag) =	ssettag $0x2  }
0x95: {  	s0 =	rddreg [dreg:$0x0];
	s2 =	stileid.u32  }
0x96: {  	s1 =	rddreg [dreg:$0x1];
	p0 =	sne.s32 s2, $0x0  }
0x97: {  	s3 =	rddreg [dreg:$0x2];
	[bflag:$0x3] =	sbarrier.arrive $0xFFFF;
	s2 =	simm.s32 @!p0 $0x1C03  }
0x98: {  	[timem:s3], [sflag:s2] =	dma.local @!p0 [hbm:s0], s1  }
0x99: {  	s0 =	simm.s32 @!p0 $0x3  }
0x9a: {  	_ =	swait.ge @!p0 [sflag:s0], s1  }
0x9b: {  	s1 =	ssub.s32 @!p0 $0x0, s1;
	[sflag:s0] =	ssyncset.done @!p0 $0x0  }
0x9c: {  	[sflag:s0] =	ssyncadd.s32 @!p0 s1  }
0x9d: {  	[bflag:$0x3] =	sbarrier.arrive $0xFFFF  }
0x9e: {  	_ =	shalt  }

// kernel: kernel.14.cloned.1.call-start
scs
__scs_entry_jumppad:
0x0: {  	(pc) =	sbr.rel $0x88, $3  }
0x1: {  	(tag) =	ssettag $0x0;
	lr =	simm.s32 $0x1  }
0x2: {  	[smem:$0x3F9A] =	sst lr;
	_ =	strace $0xD0000000  }
0x3: {  	_ = 	snop  }
0x4: {  	_ = 	snop  }
0x5: {  	_ = 	snop  }
0x6: {  	_ = 	snop  }
0x7: {  	_ = 	snop  }
__scs_overlays_trampoline_lowered:
0x8: {  	[smem:$0x3FA9] =	sst s0  }
0x9: {  	[smem:$0x3FAA] =	sst s1  }
0xa: {  	[smem:$0x3FAB] =	sst s2  }
0xb: {  	[smem:$0x3FAC] =	sst s3  }
0xc: {  	[smem:$0x3FAD] =	sst s4  }
0xd: {  	[smem:$0x3FAE] =	sst s5  }
0xe: {  	[smem:$0x3FAF] =	sst s6  }
0xf: {  	[smem:$0x3FB0] =	sst s7  }
0x10: {  	[smem:$0x3FB1] =	sst s8  }
0x11: {  	[smem:$0x3FB2] =	sst s9;
	s0 =	simm.s32 @!p0 $0x0  }
0x12: {  	s1 =	sld [smem:$0x3F98];
	s0 =	simm.s32 @p0 $0x1  }
0x13: {  	[smem:$0x3FB3] =	sst s0;
	s0 =	simm.s32 @!p1 $0x0  }
0x14: {  	s2 =	sld [smem:$0x3F97];
	s0 =	simm.s32 @p1 $0x1  }
0x15: {  	[smem:$0x3FB4] =	sst s0;
	s0 =	simm.s32 @!p2 $0x0  }
0x16: {  	s3 =	sld [smem:$0x3FDB];
	s0 =	simm.s32 @p2 $0x1  }
0x17: {  	s4 =	simm.s32 $0x1BF5;
	[smem:$0x3FB6] =	sst s0  }
0x18: {  	s0 =	sld [smem:$0x3F99];
	_ =	swait.ge [sflag:s4], $0x0  }
0x19: {  	s7 =	sld [smem:$0x3F9A]  }
0x1a: {  	s8 =	sadd.s32 $0xFFFFE003, lr  }
0x1b: {  	s9 =	sadd.s32 $0xFFFFFEF7, lr;
	s5 =	simm.s32 $0xFFFFFFFF;
	p2 =	slt.u32 s8, $0xFFFFF086  }
0x1c: {  	p1 =	slt.u32 s9, $0xF7A;
	s5 =	simm.s32 @!p2 $0x0  }
0x1d: {  	s5 =	simm.s32 @p1 $0x1;
	p0 =	seq.s32 s7, s2  }
0x1e: {  	s7 =	smul.u32 @!p0 $0xF7A, s2;
	p2 =	seq.s32 @!p0 s5, $0x0  }
0x1f: {  	s9 =	smul.u32 $0xF7A, s1;
	s8 =	simm.s32 @!p0 $0x1BF5;
	p2 =	por !p2, p0  }
0x20: {  	[sflag:s8] =	ssyncset.s32 @!p0 $0xFFFFF086;
	s6 =	sadd.s32 @!p0 s3, s7;
	s7 =	simm.s32 @!p0 $0x108  }
0x21: {  	s3 =	sadd.s32 s3, s9;
	s6 =	sadd.s32 @!p0 $0x88, s6;
	s7 =	simm.s32 @p2 $0x1082  }
0x22: {  	[simem:s7], [sflag:s8] =	dma.local @!p0 [hbm:s6], $0xF7A  }
0x23: {  	s9 =	sor.u32 $0xD0000000, s2;
	s6 =	simm.s32 $0x108;
	_ =	swait.ge @!p0 [sflag:s8], $0x0  }
0x24: {  	s3 =	sadd.s32 $0x88, s3;
	s6 =	simm.s32 @!p1 $0x1082;
	[sflag:s4] =	ssyncset.s32 $0xFFFFF086  }
0x25: {  	[simem:s6], [sflag:s4] =	dma.local [hbm:s3], $0xF7A  }
0x26: {  	[smem:$0x3F9A] =	sst s1;
	(tag) =	ssettag s2;
	_ =	strace s9  }
0x27: {  	s1 =	sld [smem:$0x3FAA]  }
0x28: {  	s2 =	sld [smem:$0x3FAB]  }
0x29: {  	s4 =	sld [smem:$0x3FAD]  }
0x2a: {  	p0 =	seq.s32 s5, $0x0;
	s5 =	sld [smem:$0x3FAE]  }
0x2b: {  	s6 =	sld [smem:$0x3FAF]  }
0x2c: {  	s7 =	sld [smem:$0x3FB0]  }
0x2d: {  	s3 =	simm.s32 $0x108;
	s8 =	sld [smem:$0x3FB1]  }
0x2e: {  	s3 =	simm.s32 @!p0 $0x1082;
	s9 =	sld [smem:$0x3FB2]  }
0x2f: {  	lr =	sadd.s32 s0, s3;
	s0 =	sld [smem:$0x3FA9]  }
0x30: {  	s3 =	sld [smem:$0x3FAC]  }
0x31: {  	[smem:$0x3FB5] =	sst s10  }
0x32: {  	s10 =	sld [smem:$0x3FB3];
	_ =	sdelay $0x3  }
0x33: {  	p0 =	seq.s32 s10, $0x1;
	s10 =	sld [smem:$0x3FB5];
	_ =	sdelay $0x3  }
0x34: {  	[smem:$0x3FB5] =	sst s10  }
0x35: {  	s10 =	sld [smem:$0x3FB4];
	_ =	sdelay $0x3  }
0x36: {  	p1 =	seq.s32 s10, $0x1;
	s10 =	sld [smem:$0x3FB5];
	_ =	sdelay $0x3  }
0x37: {  	[smem:$0x3FB5] =	sst s10  }
0x38: {  	s10 =	sld [smem:$0x3FB6]  }
0x39: {  	_ = 	snop;
	(pc) =	sbr.ind lr, $3  }
0x3a: {  	_ = 	snop  }
0x3b: {  	_ = 	snop  }
0x3c: {  	p2 =	seq.s32 s10, $0x1;
	s10 =	sld [smem:$0x3FB5]  }
0x3d: {  	_ =	shalt  }
0x3e: {  	_ =	shalt  }
0x3f: {  	_ =	shalt  }
0x40: {  	_ =	shalt  }
0x41: {  	_ =	shalt  }
0x42: {  	_ =	shalt  }
0x43: {  	_ =	shalt  }
0x44: {  	_ =	shalt  }
0x45: {  	_ =	shalt  }
0x46: {  	_ =	shalt  }
0x47: {  	_ =	shalt  }
0x48: {  	_ =	shalt  }
0x49: {  	_ =	shalt  }
0x4a: {  	_ =	shalt  }
0x4b: {  	_ =	shalt  }
0x4c: {  	_ =	shalt  }
0x4d: {  	_ =	shalt  }
0x4e: {  	_ =	shalt  }
0x4f: {  	_ =	shalt  }
0x50: {  	_ =	shalt  }
0x51: {  	_ =	shalt  }
0x52: {  	_ =	shalt  }
0x53: {  	_ =	shalt  }
0x54: {  	_ =	shalt  }
0x55: {  	_ =	shalt  }
0x56: {  	_ =	shalt  }
0x57: {  	_ =	shalt  }
0x58: {  	_ =	shalt  }
0x59: {  	_ =	shalt  }
0x5a: {  	_ =	shalt  }
0x5b: {  	_ =	shalt  }
0x5c: {  	_ =	shalt  }
0x5d: {  	_ =	shalt  }
0x5e: {  	_ =	shalt  }
0x5f: {  	_ =	shalt  }
0x60: {  	_ =	shalt  }
0x61: {  	_ =	shalt  }
0x62: {  	_ =	shalt  }
0x63: {  	_ =	shalt  }
0x64: {  	_ =	shalt  }
0x65: {  	_ =	shalt  }
0x66: {  	_ =	shalt  }
0x67: {  	_ =	shalt  }
0x68: {  	_ =	shalt  }
0x69: {  	_ =	shalt  }
0x6a: {  	_ =	shalt  }
0x6b: {  	_ =	shalt  }
0x6c: {  	_ =	shalt  }
0x6d: {  	_ =	shalt  }
0x6e: {  	_ =	shalt  }
0x6f: {  	_ =	shalt  }
0x70: {  	_ =	shalt  }
0x71: {  	_ =	shalt  }
0x72: {  	_ =	shalt  }
0x73: {  	_ =	shalt  }
0x74: {  	_ =	shalt  }
0x75: {  	_ =	shalt  }
0x76: {  	_ =	shalt  }
0x77: {  	_ =	shalt  }
0x78: {  	_ =	shalt  }
0x79: {  	_ =	shalt  }
0x7a: {  	_ =	shalt  }
0x7b: {  	_ =	shalt  }
0x7c: {  	_ =	shalt  }
0x7d: {  	_ =	shalt  }
0x7e: {  	_ =	shalt  }
0x7f: {  	_ =	shalt  }
0x80: {  	_ =	shalt  }
0x81: {  	_ =	shalt  }
0x82: {  	_ =	shalt  }
0x83: {  	_ =	shalt  }
0x84: {  	_ =	shalt  }
0x85: {  	_ =	shalt  }
0x86: {  	_ =	shalt  }
0x87: {  	_ =	shalt  }
.Lfunc_end0:
.L_simem_size_0:
called_computation.2_lowered:
.L_overlay_start_0:
0x88: {  	s2 =	sld [smem:$0x3FD9]  }
0x89: {  	s3 =	sld [smem:$0x3FFE];
	_ =	sdelay $0x1  }
0x8a: {  	s1 =	srdreg.scid  }
0x8b: {  	s0 =	sand.u32 $0x1, s1  }
0x8c: {  	s16 =	sshll.u32 s0, $0xA;
	s2 =	sadd.s32 s3, s2  }
0x8d: {  	s2 =	sadd.s32 s2, s16  }
0x8e: {  	[smem:$0x3FC1] =	sst s2  }
0x8f: {  	_ = 	snop  }
0x90: {  	(tm) =	ssettm $0x1  }
0x91: {  	s17 =	sld [smem:$0x3FFB];
	_ =	sdelay $0x3  }
0x92: {  	_ =	strace s17  }
0x93: {  	s2 =	sld [smem:$0x3FFC];
	_ =	sdelay $0x3  }
0x94: {  	_ =	strace s2  }
0x95: {  	s2 =	sld [smem:$0x3FFD];
	_ =	sdelay $0x3  }
0x96: {  	_ =	strace s2  }
0x97: {  	_ =	strace $0x8FFFFFFF  }
0x98: {  	s18 =	sld [smem:$0x3FDB];
	_ =	sdelay $0x1  }
0x99: {  	s19 =	simm.s32 $_scs_section_size  }
0x9a: {  	s4 =	simm.s32 $_size__tile_overlayer_lowered;
	s5 =	simm.s32 $_tile_overlayer_lowered  }
0x9b: {  	s22 =	simm.s32 $0x1BFF;
	s21 =	sshll.u32 s5, $0x1;
	s2 =	sadd.s32 s19, s18  }
0x9c: {  	s6 =	simm.s32 $0x0;
	s20 =	sshll.u32 s4, $0x1;
	s4 =	sadd.s32 s21, s2  }
0x9d: {  	[timem:s6], [sflag:s22] =	dma.local [hbm:s4], s20  }
0x9e: {  	_ =	swait.ge [sflag:s22], s20  }
0x9f: {  	s3 =	ssub.s32 $0x0, s20;
	[sflag:s22] =	ssyncset.done $0x0  }
0xa0: {  	[sflag:s22] =	ssyncadd.s32 s3;
	_ =	sdelay $0x1  }
0xa1: {  	s23 =	simm.s32 $0x1B8B  }
0xa2: {  	_ =	swait.ge [sflag:s23], $0x1  }
0xa3: {  	[sflag:s23] =	ssyncset.done $0x0  }
0xa4: {  	s25 =	simm.s32 $0x1B8E;
	s24 =	sld [smem:$0x3FFE];
	[sflag:s23] =	ssyncadd.s32 $0xFFFFFFFF  }
0xa5: {  	s26 =	simm.s32 $execute0_lowered;
	[smem:$0x3FD2] =	sst s25  }
0xa6: {  	s4 =	sshll.u32 s26, $0x1;
	_ =	strace $0x8000004C;
	[dreg:$0x1] =	wrdreg $0xFFFFFFFF  }
0xa7: {  	s28 =	simm.s32 $_size_execute0_lowered;
	s2 =	sadd.s32 s2, s4;
	[dreg:$0x0] =	wrdreg $0x0  }
0xa8: {  	s4 =	sshll.u32 s28, $0x1;
	[dreg:$0x2] =	wrdreg s2  }
0xa9: {  	[dreg:$0x3] =	wrdreg s4  }
0xaa: {  	[dreg:$0x4] =	wrdreg $0xC0  }
0xab: {  	_ =	task [dreg:s6], $0x5FFFF  }
0xac: {  	[dreg:$0x1] =	wrdreg $0xFFFFFFFF  }
0xad: {  	[dreg:$0x0] =	wrdreg $0x60  }
0xae: {  	[dreg:$0x2] =	wrdreg s24  }
0xaf: {  	[dreg:$0x3] =	wrdreg $0xA8000  }
0xb0: {  	[dreg:$0x4] =	wrdreg $0x9  }
0xb1: {  	_ =	task.clear_ibuf [dreg:s6], $0x5FFFF;
	_ =	strace $0x9000004C  }
0xb2: {  	s29 =	simm.s32 $0x9;
	_ =	strace $0x8000004E  }
0xb3: {  	_ =	swait.ge [sflag:s29], $0x1  }
0xb4: {  	[sflag:s29] =	ssyncadd.s32 $0xFFFFFFFF  }
0xb5: {  	_ =	strace $0x9000004E  }
0xb6: {  	_ =	sfence  }
0xb7: {  	s30 =	sld [smem:$0x0];
	_ =	sdelay $0x2  }
0xb8: {  	s31 =	sshll.u32 s1, $0xD;
	s1 =	sshrl.u32 s1, $0x2  }
0xb9: {  	s3 =	sand.u32 $0x4000, s31;
	s1 =	sadd.s32 s1, s30  }
0xba: {  	s0 =	sor.u32 s3, s0;
	s1 =	sshll.u32 s1, $0x11  }
0xbb: {  	s0 =	sor.u32 s1, s0  }
0xbc: {  	s0 =	sadd.s32 $0x8F2B, s0  }
0xbd: {  	[sflag:s0] =	ssyncadd.remote.s32 $0x1  }
0xbe: {  	_ =	sfence.sel $0xFFFF  }
0xbf: {  	[dreg:$0x0] =	wrdreg $0xFFFFFFFF;
	(pc) =	sbr.abs _section_cstart, $3  }
0xc0: {  	[dreg:$0x1] =	wrdreg $0xFFFFFFFF  }
0xc1: {  	_ =	task.clear_ibuf [dreg:s6], $0x2FFFF;
	_ =	strace $0x9FFFFFFF  }
0xc2: {  	(tm) =	ssettm $0x7FFFFFFF  }
0xc3: {  	_ =	shalt  }
tec
execute0_lowered:
.L_overlay_start_1:
0x0: {  	(tag) =	ssettag $0x1  }
0x1: {  	s0 =	srdreg.scid;
	s6 =	rddreg [dreg:$0x0]  }
0x2: {  	s2 =	rddreg [dreg:$0x1];
	s3 =	simm.s32 $0x0;
	s14 =	simm.s32 $0x80  }
0x3: {  	s15 =	simm.s32 $0x2800;
	s16 =	simm.s32 $0x6800;
	s17 =	simm.s32 $0x1  }
0x4: {  	s18 =	simm.s32 $0x2;
	s5 =	sand.u32 $0x1, s0;
	s0 =	stileid.u32  }
0x5: {  	s19 =	simm.s32 $0x2700;
	s20 =	simm.s32 $0x2780;
	s8 =	smul.u32 $0x13C00, s0  }
0x6: {  	s23 =	simm.s32 $0x0;
	[smem:$0x7FF] =	sst s3;
	s9 =	smul.u32 $0x13C000, s5  }
0x7: {  	s1 =	sshll.u32 s5, $0x4;
	s5 =	ssub.s32 $0x2, s5;
	s29 =	smul.u32 $0x4F000, s0  }
0x8: {  	s31 =	sshll.u32 s0, $0x6;
	s4 =	sor.u32 s0, s1;
	s1 =	rddreg [dreg:$0x2]  }
0x9: {  	_ =	strace $0x8000004D;
	s11 =	sshrl.u32 s5, $0x1;
	s7 =	smul.u32 $0x500, s4  }
0xa: {  	s4 =	sadd.s32 $0xC600, s6;
	s28 =	sshrl.u32 s8, $0x3;
	s8 =	sadd.s32 s8, s9  }
0xb: {  	s11 =	ssub.s32 s5, s11;
	s30 =	sshrl.u32 s29, $0x2;
	s8 =	sshrl.u32 s8, $0x3  }
0xc: {  	s13 =	sadd.s32 s30, s2;
	s10 =	sadd.s32 s7, s6;
	s7 =	sadd.s32 s28, s6  }
0xd: {  	s12 =	sadd.s32 s8, s6;
	s6 =	sor.u32 $0x1C03, s31;
	s5 =	sadd.s32 $0x33800, s7  }
0xe: {  	s7 =	sadd.s32 $0x82E00, s10;
	s8 =	sadd.s32 $0x2600, s10;
	s9 =	sadd.s32 $0x8CE00, s12  }
0xf: {  	s10 =	smax.u32 s11, $0x1;
	s11 =	sshrl.u32 s13, $0x3;
	s12 =	simm.s32 $0x3  }
0x10: {  	s13 =	simm.s32 $0x1400;
	s21 =	sadd.s32 $0x280, s7;
	s22 =	sadd.s32 $0x280, s8  }
.LBB2_1:
0x11: {  	[spmem:s11], [sflag:s6] =	dma.local [hbm:s5], $0x2780  }
0x12: {  	_ =	swait.ge [sflag:s12], $0x2780  }
0x13: {  	[sflag:s12] =	ssyncset.done $0x0  }
0x14: {  	[sflag:s12] =	ssyncadd.s32 $0xFFFFD880  }
0x15: {  	[bflag:$0x0] =	sbarrier.arrive $0xFFFF  }
0x16: {  	[tilespmem:s3], [sflag:$0x3] =	stream.linear.gather [hbm4b:s7+s3], $0x1400, $0x38;
	[tilespmem:$0x1E400] =	vst v63  }
0x17: {  	_ =	swait.ge [sflag:s12], $0x1400  }
0x18: {  	[sflag:s12] =	ssyncset.done $0x0  }
0x19: {  	[sflag:s12] =	ssyncadd.s32 $0xFFFFEC00  }
0x1a: {  	[tilespmem:s13], [sflag:$0x3] =	stream.linear.gather [hbm4b:s8+s3], $0x1400, $0x38;
	[tilespmem:$0x1E400] =	vst v63  }
0x1b: {  	_ =	swait.ge [sflag:s12], $0x1400  }
0x1c: {  	[sflag:s12] =	ssyncset.done $0x0  }
0x1d: {  	[sflag:s12] =	ssyncadd.s32 $0xFFFFEC00  }
0x1e: {  	[tilespmem:s15], [sflag:$0x1] =	stream.indirect.gather [hbm4b:s4+s14], $0x80, s3, s14, $0xb8;
	[tilespmem:$0x1E400] =	vst v63  }
0x1f: {  	_ = 	snop  }
0x20: {  	[tilespmem:s16], [sflag:$0x2] =	stream.indirect.gather [hbm4b:s4+s14], $0x80, s14, s14, $0xb8;
	[tilespmem:$0x1E400] =	vst v63  }
0x21: {  	_ =	swait.ge [sflag:s17], $0x4000  }
0x22: {  	[sflag:s17] =	ssyncset.done $0x0  }
0x23: {  	s24 =	simm.s32 $0x1400;
	[sflag:s17] =	ssyncadd.s32 $0xFFFFC000  }
0x24: {  	[spmem:s2] =	stream.indirect.scatter.add.f32 [tilespmem:s15], [sflag:$0x3], $0x80, s24, s14, $0xb8;
	[tilespmem:$0x1E400] =	vst v63  }
0x25: {  	_ =	swait.ge [sflag:s12], $0x4000  }
0x26: {  	[sflag:s12] =	ssyncset.done $0x0  }
0x27: {  	s30 =	simm.s32 $0x100;
	[sflag:s12] =	ssyncadd.s32 $0xFFFFC000  }
0x28: {  	[tilespmem:s15], [sflag:$0x1] =	stream.indirect.gather [hbm4b:s4+s14], $0x80, s30, s14, $0xb8;
	[tilespmem:$0x1E400] =	vst v63  }
0x29: {  	_ =	swait.ge [sflag:s18], $0x4000  }
0x2a: {  	[sflag:s18] =	ssyncset.done $0x0  }
0x2b: {  	s31 =	simm.s32 $0x1480;
	[sflag:s18] =	ssyncadd.s32 $0xFFFFC000  }
0x2c: {  	[spmem:s2] =	stream.indirect.scatter.add.f32 [tilespmem:s16], [sflag:$0x3], $0x80, s31, s14, $0xb8;
	[tilespmem:$0x1E400] =	vst v63  }
0x2d: {  	_ =	swait.ge [sflag:s12], $0x4000  }
0x2e: {  	[sflag:s12] =	ssyncset.done $0x0  }
0x2f: {  	s25 =	simm.s32 $0x180;
	s24 =	simm.s32 $0x400;
	[sflag:s12] =	ssyncadd.s32 $0xFFFFC000  }
.LBB2_2:
0x30: {  	[tilespmem:s16], [sflag:$0x2] =	stream.indirect.gather [hbm4b:s4+s14], $0x80, s25, s14, $0xb8;
	[tilespmem:$0x1E400] =	vst v63  }
0x31: {  	s25 =	smov.u32 s24  }
0x32: {  	p0 =	sne.s32 s24, $0x4800;
	s24 =	sadd.s32 $0x400, s24;
	_ =	swait.ge [sflag:s17], $0x4000  }
0x33: {  	s25 =	sshra.s32 s25, $0x2;
	[sflag:s17] =	ssyncset.done $0x0  }
0x34: {  	s26 =	sadd.s32 $0x1400, s25;
	[sflag:s17] =	ssyncadd.s32 $0xFFFFC000  }
0x35: {  	[spmem:s2] =	stream.indirect.scatter.add.f32 [tilespmem:s15], [sflag:$0x3], $0x80, s26, s14, $0xb8;
	[tilespmem:$0x1E400] =	vst v63  }
0x36: {  	_ =	swait.ge [sflag:s12], $0x4000  }
0x37: {  	[sflag:s12] =	ssyncset.done $0x0  }
0x38: {  	s26 =	sadd.s32 $0x100, s25;
	[sflag:s12] =	ssyncadd.s32 $0xFFFFC000  }
0x39: {  	[tilespmem:s15], [sflag:$0x1] =	stream.indirect.gather [hbm4b:s4+s14], $0x80, s26, s14, $0xb8;
	[tilespmem:$0x1E400] =	vst v63  }
0x3a: {  	_ =	swait.ge [sflag:s18], $0x4000  }
0x3b: {  	[sflag:s18] =	ssyncset.done $0x0  }
.Ltmp0:
0x3c: {  	s26 =	sadd.s32 $0x1480, s25;
	[sflag:s18] =	ssyncadd.s32 $0xFFFFC000;
	(pc) =	sbr.rel @p0 .LBB2_2-.Ltmp0, $4  }
0x3d: {  	[spmem:s2] =	stream.indirect.scatter.add.f32 [tilespmem:s16], [sflag:$0x3], $0x80, s26, s14, $0xb8;
	[tilespmem:$0x1E400] =	vst v63  }
0x3e: {  	_ =	swait.ge [sflag:s12], $0x4000  }
0x3f: {  	[sflag:s12] =	ssyncset.done $0x0  }
0x40: {  	s25 =	sadd.s32 $0x180, s25;
	[sflag:s12] =	ssyncadd.s32 $0xFFFFC000  }
0x41: {  	[tilespmem:s16], [sflag:$0x2] =	stream.indirect.gather [hbm4b:s4+s14], $0x80, s25, s14, $0xb8;
	[tilespmem:$0x1E400] =	vst v63  }
0x42: {  	_ =	swait.ge [sflag:s17], $0x4000  }
0x43: {  	[sflag:s17] =	ssyncset.done $0x0  }
0x44: {  	[sflag:s17] =	ssyncadd.s32 $0xFFFFC000  }
0x45: {  	[spmem:s2] =	stream.indirect.scatter.add.f32 [tilespmem:s15], [sflag:$0x3], $0x80, s19, s14, $0xb8;
	[tilespmem:$0x1E400] =	vst v63  }
0x46: {  	_ =	swait.ge [sflag:s12], $0x4000  }
0x47: {  	[sflag:s12] =	ssyncset.done $0x0  }
0x48: {  	[sflag:s12] =	ssyncadd.s32 $0xFFFFC000  }
0x49: {  	_ =	swait.ge [sflag:s18], $0x4000  }
0x4a: {  	[sflag:s18] =	ssyncset.done $0x0  }
0x4b: {  	[sflag:s18] =	ssyncadd.s32 $0xFFFFC000  }
0x4c: {  	[spmem:s2] =	stream.indirect.scatter.add.f32 [tilespmem:s16], [sflag:$0x3], $0x80, s20, s14, $0xb8;
	[tilespmem:$0x1E400] =	vst v63  }
0x4d: {  	_ =	swait.ge [sflag:s12], $0x4000  }
0x4e: {  	[sflag:s12] =	ssyncset.done $0x0  }
0x4f: {  	s24 =	simm.s32 $0x0;
	[sflag:s12] =	ssyncadd.s32 $0xFFFFC000  }
0x50: {  	[tilespmem:s24], [sflag:$0x3] =	stream.linear.gather [hbm4b:s21+s24], $0x1400, $0x38;
	[tilespmem:$0x1E400] =	vst v63  }
0x51: {  	_ =	swait.ge [sflag:s12], $0x1400  }
0x52: {  	[sflag:s12] =	ssyncset.done $0x0  }
0x53: {  	[sflag:s12] =	ssyncadd.s32 $0xFFFFEC00  }
0x54: {  	[tilespmem:s13], [sflag:$0x3] =	stream.linear.gather [hbm4b:s22+s24], $0x1400, $0x38;
	[tilespmem:$0x1E400] =	vst v63  }
0x55: {  	_ =	swait.ge [sflag:s12], $0x1400  }
0x56: {  	[sflag:s12] =	ssyncset.done $0x0  }
0x57: {  	[sflag:s12] =	ssyncadd.s32 $0xFFFFEC00  }
0x58: {  	[tilespmem:s15], [sflag:$0x1] =	stream.indirect.gather [hbm4b:s4+s14], $0x80, s24, s14, $0xb8;
	[tilespmem:$0x1E400] =	vst v63  }
0x59: {  	_ = 	snop  }
0x5a: {  	[tilespmem:s16], [sflag:$0x2] =	stream.indirect.gather [hbm4b:s4+s14], $0x80, s14, s14, $0xb8;
	[tilespmem:$0x1E400] =	vst v63  }
0x5b: {  	_ =	swait.ge [sflag:s17], $0x4000  }
0x5c: {  	[sflag:s17] =	ssyncset.done $0x0  }
0x5d: {  	s29 =	simm.s32 $0x1400;
	[sflag:s17] =	ssyncadd.s32 $0xFFFFC000  }
0x5e: {  	[spmem:s2] =	stream.indirect.scatter.add.f32 [tilespmem:s15], [sflag:$0x3], $0x80, s29, s14, $0xb8;
	[tilespmem:$0x1E400] =	vst v63  }
0x5f: {  	_ =	swait.ge [sflag:s12], $0x4000  }
0x60: {  	[sflag:s12] =	ssyncset.done $0x0  }
0x61: {  	s30 =	simm.s32 $0x100;
	[sflag:s12] =	ssyncadd.s32 $0xFFFFC000  }
0x62: {  	[tilespmem:s15], [sflag:$0x1] =	stream.indirect.gather [hbm4b:s4+s14], $0x80, s30, s14, $0xb8;
	[tilespmem:$0x1E400] =	vst v63  }
0x63: {  	_ =	swait.ge [sflag:s18], $0x4000  }
0x64: {  	[sflag:s18] =	ssyncset.done $0x0  }
0x65: {  	s31 =	simm.s32 $0x1480;
	[sflag:s18] =	ssyncadd.s32 $0xFFFFC000  }
0x66: {  	[spmem:s2] =	stream.indirect.scatter.add.f32 [tilespmem:s16], [sflag:$0x3], $0x80, s31, s14, $0xb8;
	[tilespmem:$0x1E400] =	vst v63  }
0x67: {  	_ =	swait.ge [sflag:s12], $0x4000  }
0x68: {  	[sflag:s12] =	ssyncset.done $0x0  }
0x69: {  	s25 =	simm.s32 $0x180;
	s24 =	simm.s32 $0x400;
	[sflag:s12] =	ssyncadd.s32 $0xFFFFC000  }
.LBB2_4:
0x6a: {  	[tilespmem:s16], [sflag:$0x2] =	stream.indirect.gather [hbm4b:s4+s14], $0x80, s25, s14, $0xb8;
	[tilespmem:$0x1E400] =	vst v63  }
0x6b: {  	s25 =	smov.u32 s24  }
0x6c: {  	p0 =	sne.s32 s24, $0x4800;
	s24 =	sadd.s32 $0x400, s24;
	_ =	swait.ge [sflag:s17], $0x4000  }
0x6d: {  	s25 =	sshra.s32 s25, $0x2;
	[sflag:s17] =	ssyncset.done $0x0  }
0x6e: {  	s26 =	sadd.s32 $0x1400, s25;
	[sflag:s17] =	ssyncadd.s32 $0xFFFFC000  }
0x6f: {  	[spmem:s2] =	stream.indirect.scatter.add.f32 [tilespmem:s15], [sflag:$0x3], $0x80, s26, s14, $0xb8;
	[tilespmem:$0x1E400] =	vst v63  }
0x70: {  	_ =	swait.ge [sflag:s12], $0x4000  }
0x71: {  	[sflag:s12] =	ssyncset.done $0x0  }
0x72: {  	s26 =	sadd.s32 $0x100, s25;
	[sflag:s12] =	ssyncadd.s32 $0xFFFFC000  }
0x73: {  	[tilespmem:s15], [sflag:$0x1] =	stream.indirect.gather [hbm4b:s4+s14], $0x80, s26, s14, $0xb8;
	[tilespmem:$0x1E400] =	vst v63  }
0x74: {  	_ =	swait.ge [sflag:s18], $0x4000  }
0x75: {  	[sflag:s18] =	ssyncset.done $0x0  }
.Ltmp1:
0x76: {  	s26 =	sadd.s32 $0x1480, s25;
	[sflag:s18] =	ssyncadd.s32 $0xFFFFC000;
	(pc) =	sbr.rel @p0 .LBB2_4-.Ltmp1, $4  }
0x77: {  	[spmem:s2] =	stream.indirect.scatter.add.f32 [tilespmem:s16], [sflag:$0x3], $0x80, s26, s14, $0xb8;
	[tilespmem:$0x1E400] =	vst v63  }
0x78: {  	_ =	swait.ge [sflag:s12], $0x4000  }
0x79: {  	[sflag:s12] =	ssyncset.done $0x0  }
0x7a: {  	s25 =	sadd.s32 $0x180, s25;
	[sflag:s12] =	ssyncadd.s32 $0xFFFFC000  }
0x7b: {  	[tilespmem:s16], [sflag:$0x2] =	stream.indirect.gather [hbm4b:s4+s14], $0x80, s25, s14, $0xb8;
	[tilespmem:$0x1E400] =	vst v63  }
0x7c: {  	_ =	swait.ge [sflag:s17], $0x4000  }
0x7d: {  	[sflag:s17] =	ssyncset.done $0x0  }
0x7e: {  	[sflag:s17] =	ssyncadd.s32 $0xFFFFC000  }
0x7f: {  	[spmem:s2] =	stream.indirect.scatter.add.f32 [tilespmem:s15], [sflag:$0x3], $0x80, s19, s14, $0xb8;
	[tilespmem:$0x1E400] =	vst v63  }
0x80: {  	_ =	swait.ge [sflag:s12], $0x4000  }
0x81: {  	[sflag:s12] =	ssyncset.done $0x0  }
0x82: {  	[sflag:s12] =	ssyncadd.s32 $0xFFFFC000  }
0x83: {  	_ =	swait.ge [sflag:s18], $0x4000  }
0x84: {  	[sflag:s18] =	ssyncset.done $0x0  }
0x85: {  	[sflag:s18] =	ssyncadd.s32 $0xFFFFC000  }
0x86: {  	[spmem:s2] =	stream.indirect.scatter.add.f32 [tilespmem:s16], [sflag:$0x3], $0x80, s20, s14, $0xb8;
	[tilespmem:$0x1E400] =	vst v63  }
0x87: {  	_ =	swait.ge [sflag:s12], $0x4000  }
0x88: {  	s23 =	sadd.s32 $0x1, s23;
	[sflag:s12] =	ssyncset.done $0x0  }
0x89: {  	p0 =	sne.s32 s23, s10;
	[sflag:s12] =	ssyncadd.s32 $0xFFFFC000  }
.Ltmp2:
0x8a: {  	[bflag:$0x0] =	sbarrier.arrive $0xFFFF;
	(pc) =	sbr.rel @p0 .LBB2_1-.Ltmp2, $4  }
0x8b: {  	[hbm:s9], [sflag:s6] =	dma.local [spmem:s11], $0x2780  }
0x8c: {  	_ =	swait.ge [sflag:s12], $0x2780  }
0x8d: {  	[sflag:s12] =	ssyncset.done $0x0  }
0x8e: {  	[sflag:s12] =	ssyncadd.s32 $0xFFFFD880  }
0x8f: {  	_ =	sfence.sel $0x180000  }
0x90: {  	[bflag:$0x0] =	sbarrier.arrive $0xFFFF  }
0x91: {  	p0 =	sne.s32 s0, $0x0;
	_ =	strace $0x9000004D  }
0x92: {  	s0 =	sadd.s32 @!p0 $0x100000, s1;
	[bflag:$0x2] =	sbarrier.arrive $0xFFFF  }
0x93: {  	[sflag:s0] =	ssyncadd.tile.s32 @!p0 $0x1;
	_ =	shalt  }
.Lfunc_end2:
_tile_overlayer_lowered:
.L_overlay_start_2:
0x94: {  	(tag) =	ssettag $0x2  }
0x95: {  	s0 =	rddreg [dreg:$0x0];
	s2 =	stileid.u32  }
0x96: {  	s1 =	rddreg [dreg:$0x1];
	p0 =	sne.s32 s2, $0x0  }
0x97: {  	s3 =	rddreg [dreg:$0x2];
	[bflag:$0x3] =	sbarrier.arrive $0xFFFF;
	s2 =	simm.s32 @!p0 $0x1C03  }
0x98: {  	[timem:s3], [sflag:s2] =	dma.local @!p0 [hbm:s0], s1  }
0x99: {  	s0 =	simm.s32 @!p0 $0x3  }
0x9a: {  	_ =	swait.ge @!p0 [sflag:s0], s1  }
0x9b: {  	s1 =	ssub.s32 @!p0 $0x0, s1;
	[sflag:s0] =	ssyncset.done @!p0 $0x0  }
0x9c: {  	[sflag:s0] =	ssyncadd.s32 @!p0 s1  }
0x9d: {  	[bflag:$0x3] =	sbarrier.arrive $0xFFFF  }
0x9e: {  	_ =	shalt  }

// kernel: kernel.8.cloned.1.call-start
scs
__scs_entry_jumppad:
0x0: {  	(pc) =	sbr.rel $0x88, $3  }
0x1: {  	(tag) =	ssettag $0x0;
	lr =	simm.s32 $0x1  }
0x2: {  	[smem:$0x3F9A] =	sst lr;
	_ =	strace $0xD0000000  }
0x3: {  	_ = 	snop  }
0x4: {  	_ = 	snop  }
0x5: {  	_ = 	snop  }
0x6: {  	_ = 	snop  }
0x7: {  	_ = 	snop  }
__scs_overlays_trampoline_lowered:
0x8: {  	[smem:$0x3FA9] =	sst s0  }
0x9: {  	[smem:$0x3FAA] =	sst s1  }
0xa: {  	[smem:$0x3FAB] =	sst s2  }
0xb: {  	[smem:$0x3FAC] =	sst s3  }
0xc: {  	[smem:$0x3FAD] =	sst s4  }
0xd: {  	[smem:$0x3FAE] =	sst s5  }
0xe: {  	[smem:$0x3FAF] =	sst s6  }
0xf: {  	[smem:$0x3FB0] =	sst s7  }
0x10: {  	[smem:$0x3FB1] =	sst s8  }
0x11: {  	[smem:$0x3FB2] =	sst s9;
	s0 =	simm.s32 @!p0 $0x0  }
0x12: {  	s1 =	sld [smem:$0x3F98];
	s0 =	simm.s32 @p0 $0x1  }
0x13: {  	[smem:$0x3FB3] =	sst s0;
	s0 =	simm.s32 @!p1 $0x0  }
0x14: {  	s2 =	sld [smem:$0x3F97];
	s0 =	simm.s32 @p1 $0x1  }
0x15: {  	[smem:$0x3FB4] =	sst s0;
	s0 =	simm.s32 @!p2 $0x0  }
0x16: {  	s3 =	sld [smem:$0x3FDB];
	s0 =	simm.s32 @p2 $0x1  }
0x17: {  	s4 =	simm.s32 $0x1BF5;
	[smem:$0x3FB6] =	sst s0  }
0x18: {  	s0 =	sld [smem:$0x3F99];
	_ =	swait.ge [sflag:s4], $0x0  }
0x19: {  	s7 =	sld [smem:$0x3F9A]  }
0x1a: {  	s8 =	sadd.s32 $0xFFFFE003, lr  }
0x1b: {  	s9 =	sadd.s32 $0xFFFFFEF7, lr;
	s5 =	simm.s32 $0xFFFFFFFF;
	p2 =	slt.u32 s8, $0xFFFFF086  }
0x1c: {  	p1 =	slt.u32 s9, $0xF7A;
	s5 =	simm.s32 @!p2 $0x0  }
0x1d: {  	s5 =	simm.s32 @p1 $0x1;
	p0 =	seq.s32 s7, s2  }
0x1e: {  	s7 =	smul.u32 @!p0 $0xF7A, s2;
	p2 =	seq.s32 @!p0 s5, $0x0  }
0x1f: {  	s9 =	smul.u32 $0xF7A, s1;
	s8 =	simm.s32 @!p0 $0x1BF5;
	p2 =	por !p2, p0  }
0x20: {  	[sflag:s8] =	ssyncset.s32 @!p0 $0xFFFFF086;
	s6 =	sadd.s32 @!p0 s3, s7;
	s7 =	simm.s32 @!p0 $0x108  }
0x21: {  	s3 =	sadd.s32 s3, s9;
	s6 =	sadd.s32 @!p0 $0x88, s6;
	s7 =	simm.s32 @p2 $0x1082  }
0x22: {  	[simem:s7], [sflag:s8] =	dma.local @!p0 [hbm:s6], $0xF7A  }
0x23: {  	s9 =	sor.u32 $0xD0000000, s2;
	s6 =	simm.s32 $0x108;
	_ =	swait.ge @!p0 [sflag:s8], $0x0  }
0x24: {  	s3 =	sadd.s32 $0x88, s3;
	s6 =	simm.s32 @!p1 $0x1082;
	[sflag:s4] =	ssyncset.s32 $0xFFFFF086  }
0x25: {  	[simem:s6], [sflag:s4] =	dma.local [hbm:s3], $0xF7A  }
0x26: {  	[smem:$0x3F9A] =	sst s1;
	(tag) =	ssettag s2;
	_ =	strace s9  }
0x27: {  	s1 =	sld [smem:$0x3FAA]  }
0x28: {  	s2 =	sld [smem:$0x3FAB]  }
0x29: {  	s4 =	sld [smem:$0x3FAD]  }
0x2a: {  	p0 =	seq.s32 s5, $0x0;
	s5 =	sld [smem:$0x3FAE]  }
0x2b: {  	s6 =	sld [smem:$0x3FAF]  }
0x2c: {  	s7 =	sld [smem:$0x3FB0]  }
0x2d: {  	s3 =	simm.s32 $0x108;
	s8 =	sld [smem:$0x3FB1]  }
0x2e: {  	s3 =	simm.s32 @!p0 $0x1082;
	s9 =	sld [smem:$0x3FB2]  }
0x2f: {  	lr =	sadd.s32 s0, s3;
	s0 =	sld [smem:$0x3FA9]  }
0x30: {  	s3 =	sld [smem:$0x3FAC]  }
0x31: {  	[smem:$0x3FB5] =	sst s10  }
0x32: {  	s10 =	sld [smem:$0x3FB3];
	_ =	sdelay $0x3  }
0x33: {  	p0 =	seq.s32 s10, $0x1;
	s10 =	sld [smem:$0x3FB5];
	_ =	sdelay $0x3  }
0x34: {  	[smem:$0x3FB5] =	sst s10  }
0x35: {  	s10 =	sld [smem:$0x3FB4];
	_ =	sdelay $0x3  }
0x36: {  	p1 =	seq.s32 s10, $0x1;
	s10 =	sld [smem:$0x3FB5];
	_ =	sdelay $0x3  }
0x37: {  	[smem:$0x3FB5] =	sst s10  }
0x38: {  	s10 =	sld [smem:$0x3FB6]  }
0x39: {  	_ = 	snop;
	(pc) =	sbr.ind lr, $3  }
0x3a: {  	_ = 	snop  }
0x3b: {  	_ = 	snop  }
0x3c: {  	p2 =	seq.s32 s10, $0x1;
	s10 =	sld [smem:$0x3FB5]  }
0x3d: {  	_ =	shalt  }
0x3e: {  	_ =	shalt  }
0x3f: {  	_ =	shalt  }
0x40: {  	_ =	shalt  }
0x41: {  	_ =	shalt  }
0x42: {  	_ =	shalt  }
0x43: {  	_ =	shalt  }
0x44: {  	_ =	shalt  }
0x45: {  	_ =	shalt  }
0x46: {  	_ =	shalt  }
0x47: {  	_ =	shalt  }
0x48: {  	_ =	shalt  }
0x49: {  	_ =	shalt  }
0x4a: {  	_ =	shalt  }
0x4b: {  	_ =	shalt  }
0x4c: {  	_ =	shalt  }
0x4d: {  	_ =	shalt  }
0x4e: {  	_ =	shalt  }
0x4f: {  	_ =	shalt  }
0x50: {  	_ =	shalt  }
0x51: {  	_ =	shalt  }
0x52: {  	_ =	shalt  }
0x53: {  	_ =	shalt  }
0x54: {  	_ =	shalt  }
0x55: {  	_ =	shalt  }
0x56: {  	_ =	shalt  }
0x57: {  	_ =	shalt  }
0x58: {  	_ =	shalt  }
0x59: {  	_ =	shalt  }
0x5a: {  	_ =	shalt  }
0x5b: {  	_ =	shalt  }
0x5c: {  	_ =	shalt  }
0x5d: {  	_ =	shalt  }
0x5e: {  	_ =	shalt  }
0x5f: {  	_ =	shalt  }
0x60: {  	_ =	shalt  }
0x61: {  	_ =	shalt  }
0x62: {  	_ =	shalt  }
0x63: {  	_ =	shalt  }
0x64: {  	_ =	shalt  }
0x65: {  	_ =	shalt  }
0x66: {  	_ =	shalt  }
0x67: {  	_ =	shalt  }
0x68: {  	_ =	shalt  }
0x69: {  	_ =	shalt  }
0x6a: {  	_ =	shalt  }
0x6b: {  	_ =	shalt  }
0x6c: {  	_ =	shalt  }
0x6d: {  	_ =	shalt  }
0x6e: {  	_ =	shalt  }
0x6f: {  	_ =	shalt  }
0x70: {  	_ =	shalt  }
0x71: {  	_ =	shalt  }
0x72: {  	_ =	shalt  }
0x73: {  	_ =	shalt  }
0x74: {  	_ =	shalt  }
0x75: {  	_ =	shalt  }
0x76: {  	_ =	shalt  }
0x77: {  	_ =	shalt  }
0x78: {  	_ =	shalt  }
0x79: {  	_ =	shalt  }
0x7a: {  	_ =	shalt  }
0x7b: {  	_ =	shalt  }
0x7c: {  	_ =	shalt  }
0x7d: {  	_ =	shalt  }
0x7e: {  	_ =	shalt  }
0x7f: {  	_ =	shalt  }
0x80: {  	_ =	shalt  }
0x81: {  	_ =	shalt  }
0x82: {  	_ =	shalt  }
0x83: {  	_ =	shalt  }
0x84: {  	_ =	shalt  }
0x85: {  	_ =	shalt  }
0x86: {  	_ =	shalt  }
0x87: {  	_ =	shalt  }
.Lfunc_end0:
.L_simem_size_0:
called_computation_lowered:
.L_overlay_start_0:
0x88: {  	s2 =	sld [smem:$0x3FD9]  }
0x89: {  	s3 =	sld [smem:$0x3FFE];
	_ =	sdelay $0x1  }
0x8a: {  	s1 =	srdreg.scid  }
0x8b: {  	s0 =	sand.u32 $0x1, s1  }
0x8c: {  	s16 =	sshll.u32 s0, $0xA;
	s2 =	sadd.s32 s3, s2  }
0x8d: {  	s2 =	sadd.s32 s2, s16  }
0x8e: {  	[smem:$0x3FC1] =	sst s2  }
0x8f: {  	_ = 	snop  }
0x90: {  	(tm) =	ssettm $0x1  }
0x91: {  	s17 =	sld [smem:$0x3FFB];
	_ =	sdelay $0x3  }
0x92: {  	_ =	strace s17  }
0x93: {  	s2 =	sld [smem:$0x3FFC];
	_ =	sdelay $0x3  }
0x94: {  	_ =	strace s2  }
0x95: {  	s2 =	sld [smem:$0x3FFD];
	_ =	sdelay $0x3  }
0x96: {  	_ =	strace s2  }
0x97: {  	_ =	strace $0x8FFFFFFF  }
0x98: {  	s18 =	sld [smem:$0x3FDB];
	_ =	sdelay $0x1  }
0x99: {  	s19 =	simm.s32 $_scs_section_size  }
0x9a: {  	s4 =	simm.s32 $_size__tile_overlayer_lowered;
	s5 =	simm.s32 $_tile_overlayer_lowered  }
0x9b: {  	s22 =	simm.s32 $0x1BFF;
	s21 =	sshll.u32 s5, $0x1;
	s2 =	sadd.s32 s19, s18  }
0x9c: {  	s6 =	simm.s32 $0x0;
	s20 =	sshll.u32 s4, $0x1;
	s4 =	sadd.s32 s21, s2  }
0x9d: {  	[timem:s6], [sflag:s22] =	dma.local [hbm:s4], s20  }
0x9e: {  	_ =	swait.ge [sflag:s22], s20  }
0x9f: {  	s3 =	ssub.s32 $0x0, s20;
	[sflag:s22] =	ssyncset.done $0x0  }
0xa0: {  	[sflag:s22] =	ssyncadd.s32 s3;
	_ =	sdelay $0x1  }
0xa1: {  	s23 =	simm.s32 $0x1B8B  }
0xa2: {  	_ =	swait.ge [sflag:s23], $0x1  }
0xa3: {  	[sflag:s23] =	ssyncset.done $0x0  }
0xa4: {  	s25 =	simm.s32 $0x1B8E;
	s24 =	sld [smem:$0x3FFE];
	[sflag:s23] =	ssyncadd.s32 $0xFFFFFFFF  }
0xa5: {  	s26 =	simm.s32 $execute0_lowered;
	[smem:$0x3FD2] =	sst s25  }
0xa6: {  	s4 =	sshll.u32 s26, $0x1;
	_ =	strace $0x80000046;
	[dreg:$0x1] =	wrdreg $0xFFFFFFFF  }
0xa7: {  	s28 =	simm.s32 $_size_execute0_lowered;
	s2 =	sadd.s32 s2, s4;
	[dreg:$0x0] =	wrdreg $0x0  }
0xa8: {  	s4 =	sshll.u32 s28, $0x1;
	[dreg:$0x2] =	wrdreg s2  }
0xa9: {  	[dreg:$0x3] =	wrdreg s4  }
0xaa: {  	[dreg:$0x4] =	wrdreg $0xC0  }
0xab: {  	_ =	task [dreg:s6], $0x5FFFF  }
0xac: {  	[dreg:$0x1] =	wrdreg $0xFFFFFFFF  }
0xad: {  	[dreg:$0x0] =	wrdreg $0x60  }
0xae: {  	[dreg:$0x2] =	wrdreg s24  }
0xaf: {  	[dreg:$0x3] =	wrdreg $0x54000  }
0xb0: {  	[dreg:$0x4] =	wrdreg $0x9  }
0xb1: {  	_ =	task.clear_ibuf [dreg:s6], $0x5FFFF;
	_ =	strace $0x90000046  }
0xb2: {  	s29 =	simm.s32 $0x9;
	_ =	strace $0x80000048  }
0xb3: {  	_ =	swait.ge [sflag:s29], $0x1  }
0xb4: {  	[sflag:s29] =	ssyncadd.s32 $0xFFFFFFFF  }
0xb5: {  	_ =	strace $0x90000048  }
0xb6: {  	_ =	sfence  }
0xb7: {  	s30 =	sld [smem:$0x0];
	_ =	sdelay $0x2  }
0xb8: {  	s31 =	sshll.u32 s1, $0xD;
	s1 =	sshrl.u32 s1, $0x2  }
0xb9: {  	s3 =	sand.u32 $0x4000, s31;
	s1 =	sadd.s32 s1, s30  }
0xba: {  	s0 =	sor.u32 s3, s0;
	s1 =	sshll.u32 s1, $0x11  }
0xbb: {  	s0 =	sor.u32 s1, s0  }
0xbc: {  	s0 =	sadd.s32 $0x8F2B, s0  }
0xbd: {  	[sflag:s0] =	ssyncadd.remote.s32 $0x1  }
0xbe: {  	_ =	sfence.sel $0xFFFF  }
0xbf: {  	[dreg:$0x0] =	wrdreg $0xFFFFFFFF;
	(pc) =	sbr.abs _section_cstart, $3  }
0xc0: {  	[dreg:$0x1] =	wrdreg $0xFFFFFFFF  }
0xc1: {  	_ =	task.clear_ibuf [dreg:s6], $0x2FFFF;
	_ =	strace $0x9FFFFFFF  }
0xc2: {  	(tm) =	ssettm $0x7FFFFFFF  }
0xc3: {  	_ =	shalt  }
tec
execute0_lowered:
.L_overlay_start_1:
0x0: {  	(tag) =	ssettag $0x1  }
0x1: {  	s0 =	srdreg.scid  }
0x2: {  	s5 =	rddreg [dreg:$0x0];
	s4 =	sand.u32 $0x1, s0;
	s0 =	stileid.u32  }
0x3: {  	s2 =	rddreg [dreg:$0x1];
	s3 =	simm.s32 $0x0;
	s7 =	smul.u32 $0x13C00, s0  }
0x4: {  	s12 =	simm.s32 $0x1400;
	[smem:$0x7FF] =	sst s3;
	s8 =	smul.u32 $0x13C000, s4  }
0x5: {  	s1 =	sshll.u32 s4, $0x4;
	s4 =	ssub.s32 $0x2, s4;
	s29 =	smul.u32 $0x4F000, s0  }
0x6: {  	s31 =	sshll.u32 s0, $0x6;
	s1 =	sor.u32 s0, s1;
	s10 =	sshrl.u32 s4, $0x1  }
0x7: {  	s6 =	smul.u32 $0x500, s1;
	s1 =	rddreg [dreg:$0x2];
	_ =	strace $0x80000047  }
0x8: {  	s9 =	sshrl.u32 s7, $0x3;
	s7 =	sadd.s32 s7, s8;
	s10 =	ssub.s32 s4, s10  }
0x9: {  	s30 =	sshrl.u32 s29, $0x2;
	s9 =	sadd.s32 s9, s5;
	s7 =	sshrl.u32 s7, $0x3  }
0xa: {  	s11 =	sadd.s32 s30, s2;
	s8 =	smax.u32 s10, $0x1;
	s10 =	simm.s32 $0x1  }
0xb: {  	s6 =	sadd.s32 s6, s5;
	s7 =	sadd.s32 s7, s5;
	s4 =	sadd.s32 $0xC600, s9  }
0xc: {  	s5 =	sor.u32 $0x1C01, s31;
	s9 =	sshrl.u32 s11, $0x3;
	s6 =	sadd.s32 $0x2600, s6  }
0xd: {  	v0 =	vimm.f32 $1.000000000e+00;
	s11 =	simm.s32 $0x80;
	s7 =	sadd.s32 $0x33E00, s7;
	s13 =	sadd.s32 $0x280, s6  }
.LBB2_1:
0xe: {  	s14 =	simm.s32 $0x200;
	s15 =	simm.s32 $0x0  }
.LBB2_2:
0xf: {  	p0 =	sne.s32 s14, $0xFE00;
	[tilespmem:s15+$0x1400] =	vst v0;
	s15 =	smov.u32 s14;
	s14 =	sadd.s32 $0x200, s14  }
.Ltmp0:
0x10: {  	(pc) =	sbr.rel @p0 .LBB2_2-.Ltmp0, $2  }
0x11: {  	_ =	sdelay $0x2  }
0x12: {  	s15 =	sshra.s32 s15, $0x2  }
0x13: {  	[tilespmem:s15+$0x1400] =	vst v0  }
0x14: {  	[spmem:s9], [sflag:s5] =	dma.local [hbm:s4], $0x2780  }
0x15: {  	_ =	swait.ge [sflag:s10], $0x2780  }
0x16: {  	[sflag:s10] =	ssyncset.done $0x0  }
0x17: {  	[sflag:s10] =	ssyncadd.s32 $0xFFFFD880  }
0x18: {  	s14 =	simm.s32 $0x0;
	[bflag:$0x0] =	sbarrier.arrive $0xFFFF  }
0x19: {  	[tilespmem:s14], [sflag:$0x1] =	stream.linear.gather [hbm4b:s6+s14], $0x1400, $0x38;
	[tilespmem:$0x7B80] =	vst v63  }
0x1a: {  	_ =	swait.ge [sflag:s10], $0x1400  }
0x1b: {  	[sflag:s10] =	ssyncset.done $0x0  }
0x1c: {  	s31 =	simm.s32 $0x0;
	[sflag:s10] =	ssyncadd.s32 $0xFFFFEC00  }
0x1d: {  	[spmem:s2] =	stream.indirect.scatter.add.f32 [tilespmem:s12], [sflag:$0x1], $0x10, s31, s11, $0xb8;
	[tilespmem:$0x7B80] =	vst v63  }
0x1e: {  	_ =	swait.ge [sflag:s10], $0x800  }
0x1f: {  	s14 =	simm.s32 $0x200;
	[sflag:s10] =	ssyncset.done $0x0  }
.LBB2_4:
0x20: {  	s15 =	sshra.s32 s14, $0x2;
	[sflag:s10] =	ssyncadd.s32 $0xFFFFF800;
	p0 =	sne.s32 s14, $0x4E00  }
0x21: {  	[spmem:s2] =	stream.indirect.scatter.add.f32 [tilespmem:s12], [sflag:$0x1], $0x10, s15, s11, $0xb8;
	[tilespmem:$0x7B80] =	vst v63  }
.Ltmp1:
0x22: {  	_ = 	snop;
	(pc) =	sbr.rel @p0 .LBB2_4-.Ltmp1, $4  }
0x23: {  	_ = 	snop  }
0x24: {  	s14 =	sadd.s32 $0x200, s14  }
0x25: {  	_ =	swait.ge [sflag:s10], $0x800  }
0x26: {  	[sflag:s10] =	ssyncset.done $0x0  }
0x27: {  	[sflag:s10] =	ssyncadd.s32 $0xFFFFF800;
	s14 =	simm.s32 $0x0  }
0x28: {  	[tilespmem:s14], [sflag:$0x1] =	stream.linear.gather [hbm4b:s13+s14], $0x1400, $0x38;
	[tilespmem:$0x7B80] =	vst v63  }
0x29: {  	_ =	swait.ge [sflag:s10], $0x1400  }
0x2a: {  	[sflag:s10] =	ssyncset.done $0x0  }
0x2b: {  	s31 =	simm.s32 $0x0;
	[sflag:s10] =	ssyncadd.s32 $0xFFFFEC00  }
0x2c: {  	[spmem:s2] =	stream.indirect.scatter.add.f32 [tilespmem:s12], [sflag:$0x1], $0x10, s31, s11, $0xb8;
	[tilespmem:$0x7B80] =	vst v63  }
0x2d: {  	_ =	swait.ge [sflag:s10], $0x800  }
0x2e: {  	s14 =	simm.s32 $0x200;
	[sflag:s10] =	ssyncset.done $0x0  }
.LBB2_6:
0x2f: {  	s15 =	sshra.s32 s14, $0x2;
	[sflag:s10] =	ssyncadd.s32 $0xFFFFF800;
	p0 =	sne.s32 s14, $0x4E00  }
0x30: {  	[spmem:s2] =	stream.indirect.scatter.add.f32 [tilespmem:s12], [sflag:$0x1], $0x10, s15, s11, $0xb8;
	[tilespmem:$0x7B80] =	vst v63  }
.Ltmp2:
0x31: {  	_ = 	snop;
	(pc) =	sbr.rel @p0 .LBB2_6-.Ltmp2, $4  }
0x32: {  	_ = 	snop  }
0x33: {  	s14 =	sadd.s32 $0x200, s14  }
0x34: {  	_ =	swait.ge [sflag:s10], $0x800  }
0x35: {  	[sflag:s10] =	ssyncset.done $0x0  }
0x36: {  	s3 =	sadd.s32 $0x1, s3  }
0x37: {  	[sflag:s10] =	ssyncadd.s32 $0xFFFFF800;
	p0 =	sne.s32 s3, s8  }
.Ltmp3:
0x38: {  	[bflag:$0x0] =	sbarrier.arrive $0xFFFF;
	(pc) =	sbr.rel @p0 .LBB2_1-.Ltmp3, $4  }
0x39: {  	[hbm:s7], [sflag:s5] =	dma.local [spmem:s9], $0x2780  }
0x3a: {  	_ =	swait.ge [sflag:s10], $0x2780  }
0x3b: {  	[sflag:s10] =	ssyncset.done $0x0  }
0x3c: {  	[sflag:s10] =	ssyncadd.s32 $0xFFFFD880  }
0x3d: {  	_ =	sfence.sel $0x180000  }
0x3e: {  	[bflag:$0x0] =	sbarrier.arrive $0xFFFF  }
0x3f: {  	p0 =	sne.s32 s0, $0x0;
	_ =	strace $0x90000047  }
0x40: {  	s0 =	sadd.s32 @!p0 $0x100000, s1;
	[bflag:$0x2] =	sbarrier.arrive $0xFFFF  }
0x41: {  	[sflag:s0] =	ssyncadd.tile.s32 @!p0 $0x1;
	_ =	shalt  }
.Lfunc_end2:
_tile_overlayer_lowered:
.L_overlay_start_2:
0x42: {  	(tag) =	ssettag $0x2  }
0x43: {  	s0 =	rddreg [dreg:$0x0];
	s2 =	stileid.u32  }
0x44: {  	s1 =	rddreg [dreg:$0x1];
	p0 =	sne.s32 s2, $0x0  }
0x45: {  	s3 =	rddreg [dreg:$0x2];
	[bflag:$0x3] =	sbarrier.arrive $0xFFFF;
	s2 =	simm.s32 @!p0 $0x1C01  }
0x46: {  	[timem:s3], [sflag:s2] =	dma.local @!p0 [hbm:s0], s1  }
0x47: {  	s0 =	simm.s32 @!p0 $0x1  }
0x48: {  	_ =	swait.ge @!p0 [sflag:s0], s1  }
0x49: {  	s1 =	ssub.s32 @!p0 $0x0, s1;
	[sflag:s0] =	ssyncset.done @!p0 $0x0  }
0x4a: {  	[sflag:s0] =	ssyncadd.s32 @!p0 s1  }
0x4b: {  	[bflag:$0x3] =	sbarrier.arrive $0xFFFF  }
0x4c: {  	_ =	shalt  }

</sc_bundles>
